<compile_context>
chip_gen: v7x
topology: tpu7x:2x2x1
jax: 0.10.2.dev20260603
libtpu: 0.0.44.dev20260713+nightly
codegen_flags: <defaults>
</compile_context>

<pallas_src>
import functools

import jax
import jax.numpy as jnp
from jax import lax
from jax.experimental import pallas as pl
from jax.experimental.pallas import tpu as pltpu
from jax.experimental.pallas import tpu_sc as plsc

EMB = 128
B = 4096
T = 200
B_TOT = B * T
NC, NS = 2, 16
NW = NC * NS
PER_W = B_TOT // NW
CH = 128
NCH = PER_W // CH
NBUF = 5
STG = B // NS


def _sc_gather(idx2d, pe):
    mesh = plsc.VectorSubcoreMesh(core_axis_name="c", subcore_axis_name="s")

    @functools.partial(
        pl.kernel,
        out_type=jax.ShapeDtypeStruct((B_TOT, EMB), jnp.float32),
        mesh=mesh,
        scratch_types=[
            pltpu.VMEM((NBUF, CH), jnp.int32),
            pltpu.VMEM((NBUF, CH, EMB), jnp.float32),
            pltpu.VMEM_SHARED((B, EMB), jnp.float32),
            pltpu.SemaphoreType.DMA((NBUF,)),
            pltpu.SemaphoreType.DMA((NBUF,)),
            pltpu.SemaphoreType.DMA((NBUF,)),
        ],
    )
    def k(idx_hbm, pe_hbm, out_hbm, idx_v, rows_v, pe_sh, isem, gsem, ssem):
        sid = lax.axis_index("s")
        wid = sid * NC + lax.axis_index("c")
        base = wid * PER_W
        crow = wid * NCH

        pltpu.sync_copy(pe_hbm.at[pl.ds(sid * STG, STG)],
                        pe_sh.at[pl.ds(sid * STG, STG)])
        plsc.subcore_barrier()

        def idx_start(g, slot):
            pltpu.async_copy(idx_hbm.at[crow + g], idx_v.at[slot],
                             isem.at[slot])

        def idx_wait(g, slot):
            pltpu.make_async_copy(idx_hbm.at[crow + g], idx_v.at[slot],
                                  isem.at[slot]).wait()

        def gather_start(g, slot):
            pltpu.async_copy(pe_sh.at[idx_v.at[slot]], rows_v.at[slot],
                             gsem.at[slot])

        def gather_wait(g, slot):
            pltpu.make_async_copy(pe_sh.at[idx_v.at[slot]], rows_v.at[slot],
                                  gsem.at[slot]).wait()

        def out_start(g, slot):
            pltpu.async_copy(rows_v.at[slot],
                             out_hbm.at[pl.ds(base + g * CH, CH)],
                             ssem.at[slot])

        def out_wait(g, slot):
            pltpu.make_async_copy(rows_v.at[slot],
                                  out_hbm.at[pl.ds(base + g * CH, CH)],
                                  ssem.at[slot]).wait()

        for b in range(NBUF):
            idx_start(b, b)
        for b in range(NBUF):
            idx_wait(b, b)
            gather_start(b, b)

        @pl.loop(0, NCH, step=NBUF)
        def _outer(g0):
            for b in range(NBUF):
                g = g0 + b
                gather_wait(g, b)
                nxt = g + NBUF

                @pl.when(nxt < NCH)
                def _():
                    idx_start(nxt, b)

                out_start(g, b)
            for b in range(NBUF):
                g = g0 + b
                out_wait(g, b)
                nxt = g + NBUF

                @pl.when(nxt < NCH)
                def _():
                    idx_wait(nxt, b)
                    gather_start(nxt, b)

    return k(idx2d, pe)


def kernel(t_idx, pe):
    idx2d = t_idx.reshape(NW * NCH, CH)
    out = _sc_gather(idx2d, pe)
    return out.reshape(B, T, EMB)

# --- scband reference (transcript-rebuilt; emitter-appended) ---
"""Pipeline reference for scband-sinusoidal-time-embedding-54425825574912 (READ-ONLY COPY).

The authoritative reference and input builder live on the scoring server;
editing this copy changes nothing except your own understanding.
"""

import jax, jax.numpy as jnp
import numpy as np

EMB_DIM = 128
MAX_LEN = 4096
BATCH = 4096
HIST = 200


def _build_pe(max_len, emb_dim):
    position = jnp.arange(max_len, dtype=jnp.float32)[:, None]
    div_term = jnp.exp(jnp.arange(0, emb_dim, 2, dtype=jnp.float32) * (-jnp.log(jnp.float32(10000.0)) / emb_dim))
    pe = jnp.zeros((max_len, emb_dim), dtype=jnp.float32)
    pe = pe.at[:, 0::2].set(jnp.sin(position * div_term))
    pe = pe.at[:, 1::2].set(jnp.cos(position * div_term))
    return pe


def setup_inputs(seed: int = 0):
    key = jax.random.key(seed)
    t_idx = jax.random.randint(key, (BATCH, HIST), 0, MAX_LEN, dtype=jnp.int32)
    pe = _build_pe(MAX_LEN, EMB_DIM)
    return {"t_idx": t_idx, "pe": pe}


def reference(t_idx, pe):
    # SinusoidalTimeEmbedding.forward: gather rows of the precomputed
    # sinusoidal table at the given time indices -> [B, T, E]
    return jnp.take(pe, t_idx, axis=0)

if __name__ == "__main__":
    import jax
    _d = setup_inputs()
    print(jax.jit(kernel)(*tuple(_d.values())))

</pallas_src>

<mosaic_0001>
#map = affine_map<(d0, d1) -> (0, 0)>
module attributes {stable_mosaic.version = 14 : i64} {
  func.func @k(%arg0: i32, %arg1: i32, %arg2: memref<6400x128xi32, #tpu.memory_space<hbm>>, %arg3: memref<4096x128xf32, #tpu.memory_space<hbm>>, %arg4: memref<819200x128xf32, #tpu.memory_space<hbm>>, %arg5: memref<5x128xi32, #tpu.memory_space<vmem>>, %arg6: memref<5x128x128xf32, #tpu.memory_space<vmem>>, %arg7: memref<4096x128xf32, #tpu.memory_space<vmem_shared>>, %arg8: memref<5x!tpu.dma_semaphore, #tpu.memory_space<semaphore_mem>>, %arg9: memref<5x!tpu.dma_semaphore, #tpu.memory_space<semaphore_mem>>, %arg10: memref<5x!tpu.dma_semaphore, #tpu.memory_space<semaphore_mem>>) attributes {dimension_semantics = [#tpu.dimension_semantics<core_parallel>, #tpu.dimension_semantics<subcore_parallel>], iteration_bounds = array<i64: 2, 16>, scalar_prefetch = 0 : i64, scratch_operands = 6 : i64, tpu.core_type = #tpu.core_type<sc_vector_subcore>, window_params = [{transform_indices = #map}, {transform_indices = #map}, {transform_indices = #map}]} {
    %mul3A = arith.constant 2 : i32
    %mul3A_0 = arith.muli %arg1, %mul3A : i32
    %add3A = arith.addi %mul3A_0, %arg0 : i32
    %mul3A_1 = arith.constant 25600 : i32
    %mul3A_2 = arith.muli %add3A, %mul3A_1 : i32
    %mul3A_3 = arith.constant 200 : i32
    %mul3A_4 = arith.muli %add3A, %mul3A_3 : i32
    %mul3A_5 = arith.constant 256 : i32
    %mul3A_6 = arith.muli %arg1, %mul3A_5 : i32
    %mul3A_7 = arith.constant 256 : i32
    %mul3A_8 = arith.muli %arg1, %mul3A_7 : i32
    "tpu.region"() ({
      %run_scoped3A = tpu.sem_alloc : memref<!tpu.dma_semaphore, #tpu.memory_space<semaphore_mem>>
      %dma_start3A_266 = arith.constant 0 : i32
      %dma_start3A_267 = tpu.memref_slice %arg7[%mul3A_8, %dma_start3A_266] : memref<4096x128xf32, #tpu.memory_space<vmem_shared>> -> memref<256x128xf32, #tpu.memory_space<vmem_shared>>
      %dma_start3A_268 = arith.constant 0 : i32
      %dma_start3A_269 = tpu.memref_slice %arg3[%mul3A_6, %dma_start3A_268] : memref<4096x128xf32, #tpu.memory_space<hbm>> -> memref<256x128xf32, #tpu.memory_space<hbm>>
      tpu.enqueue_dma source(%dma_start3A_269 : memref<256x128xf32, #tpu.memory_space<hbm>>) target(%dma_start3A_267 : memref<256x128xf32, #tpu.memory_space<vmem_shared>>) target_semaphore(%run_scoped3A : memref<!tpu.dma_semaphore, #tpu.memory_space<semaphore_mem>>)
      %dma_wait3A_270 = arith.constant 0 : i32
      %dma_wait3A_271 = tpu.memref_slice %arg7[%mul3A_8, %dma_wait3A_270] : memref<4096x128xf32, #tpu.memory_space<vmem_shared>> -> memref<256x128xf32, #tpu.memory_space<vmem_shared>>
      %dma_wait3A_272 = arith.constant 0 : i32
      %dma_wait3A_273 = tpu.memref_slice %arg3[%mul3A_6, %dma_wait3A_272] : memref<4096x128xf32, #tpu.memory_space<hbm>> -> memref<256x128xf32, #tpu.memory_space<hbm>>
      tpu.wait_dma2 semaphore(%run_scoped3A : memref<!tpu.dma_semaphore, #tpu.memory_space<semaphore_mem>>) src(%dma_wait3A_273 : memref<256x128xf32, #tpu.memory_space<hbm>>) dst(%dma_wait3A_271 : memref<256x128xf32, #tpu.memory_space<vmem_shared>>)
      tpu.yield
    }) : () -> ()
    %barrier3A = arith.constant 0 : index
    tpu.barrier barrier_id(%barrier3A)
    %add3A_9 = arith.constant 0 : i32
    %add3A_10 = arith.addi %mul3A_4, %add3A_9 : i32
    %dma_start3A = arith.constant 0 : i32
    %dma_start3A_11 = arith.constant 0 : i32
    %dma_start3A_12 = arith.constant 0 : i32
    %dma_start3A_13 = tpu.memref_slice %arg5[%dma_start3A, %dma_start3A_12] : memref<5x128xi32, #tpu.memory_space<vmem>> -> memref<1x128xi32, #tpu.memory_space<vmem>>
    %dma_start3A_14 = tpu.memref_squeeze %dma_start3A_13 : memref<1x128xi32, #tpu.memory_space<vmem>> -> memref<128xi32, #tpu.memory_space<vmem>>
    %dma_start3A_15 = arith.constant 0 : i32
    %dma_start3A_16 = tpu.memref_slice %arg2[%add3A_10, %dma_start3A_15] : memref<6400x128xi32, #tpu.memory_space<hbm>> -> memref<1x128xi32, #tpu.memory_space<hbm>>
    %dma_start3A_17 = tpu.memref_squeeze %dma_start3A_16 : memref<1x128xi32, #tpu.memory_space<hbm>> -> memref<128xi32, #tpu.memory_space<hbm>>
    %dma_start3A_18 = tpu.memref_slice %arg8[%dma_start3A_11] : memref<5x!tpu.dma_semaphore, #tpu.memory_space<semaphore_mem>> -> memref<1x!tpu.dma_semaphore, #tpu.memory_space<semaphore_mem>>
    %dma_start3A_19 = tpu.memref_squeeze %dma_start3A_18 : memref<1x!tpu.dma_semaphore, #tpu.memory_space<semaphore_mem>> -> memref<!tpu.dma_semaphore, #tpu.memory_space<semaphore_mem>>
    %dma_start3A_20 = arith.constant 0 : i32
    %dma_start3A_21 = tpu.memref_slice %arg5[%dma_start3A, %dma_start3A_20] : memref<5x128xi32, #tpu.memory_space<vmem>> -> memref<1x128xi32, #tpu.memory_space<vmem>>
    %dma_start3A_22 = tpu.memref_squeeze %dma_start3A_21 : memref<1x128xi32, #tpu.memory_space<vmem>> -> memref<128xi32, #tpu.memory_space<vmem>>
    %dma_start3A_23 = arith.constant 0 : i32
    %dma_start3A_24 = tpu.memref_slice %arg2[%add3A_10, %dma_start3A_23] : memref<6400x128xi32, #tpu.memory_space<hbm>> -> memref<1x128xi32, #tpu.memory_space<hbm>>
    %dma_start3A_25 = tpu.memref_squeeze %dma_start3A_24 : memref<1x128xi32, #tpu.memory_space<hbm>> -> memref<128xi32, #tpu.memory_space<hbm>>
    tpu.enqueue_dma source(%dma_start3A_25 : memref<128xi32, #tpu.memory_space<hbm>>) target(%dma_start3A_22 : memref<128xi32, #tpu.memory_space<vmem>>) target_semaphore(%dma_start3A_19 : memref<!tpu.dma_semaphore, #tpu.memory_space<semaphore_mem>>)
    %add3A_26 = arith.constant 1 : i32
    %add3A_27 = arith.addi %mul3A_4, %add3A_26 : i32
    %dma_start3A_28 = arith.constant 1 : i32
    %dma_start3A_29 = arith.constant 1 : i32
    %dma_start3A_30 = arith.constant 0 : i32
    %dma_start3A_31 = tpu.memref_slice %arg5[%dma_start3A_28, %dma_start3A_30] : memref<5x128xi32, #tpu.memory_space<vmem>> -> memref<1x128xi32, #tpu.memory_space<vmem>>
    %dma_start3A_32 = tpu.memref_squeeze %dma_start3A_31 : memref<1x128xi32, #tpu.memory_space<vmem>> -> memref<128xi32, #tpu.memory_space<vmem>>
    %dma_start3A_33 = arith.constant 0 : i32
    %dma_start3A_34 = tpu.memref_slice %arg2[%add3A_27, %dma_start3A_33] : memref<6400x128xi32, #tpu.memory_space<hbm>> -> memref<1x128xi32, #tpu.memory_space<hbm>>
    %dma_start3A_35 = tpu.memref_squeeze %dma_start3A_34 : memref<1x128xi32, #tpu.memory_space<hbm>> -> memref<128xi32, #tpu.memory_space<hbm>>
    %dma_start3A_36 = tpu.memref_slice %arg8[%dma_start3A_29] : memref<5x!tpu.dma_semaphore, #tpu.memory_space<semaphore_mem>> -> memref<1x!tpu.dma_semaphore, #tpu.memory_space<semaphore_mem>>
    %dma_start3A_37 = tpu.memref_squeeze %dma_start3A_36 : memref<1x!tpu.dma_semaphore, #tpu.memory_space<semaphore_mem>> -> memref<!tpu.dma_semaphore, #tpu.memory_space<semaphore_mem>>
    %dma_start3A_38 = arith.constant 0 : i32
    %dma_start3A_39 = tpu.memref_slice %arg5[%dma_start3A_28, %dma_start3A_38] : memref<5x128xi32, #tpu.memory_space<vmem>> -> memref<1x128xi32, #tpu.memory_space<vmem>>
    %dma_start3A_40 = tpu.memref_squeeze %dma_start3A_39 : memref<1x128xi32, #tpu.memory_space<vmem>> -> memref<128xi32, #tpu.memory_space<vmem>>
    %dma_start3A_41 = arith.constant 0 : i32
    %dma_start3A_42 = tpu.memref_slice %arg2[%add3A_27, %dma_start3A_41] : memref<6400x128xi32, #tpu.memory_space<hbm>> -> memref<1x128xi32, #tpu.memory_space<hbm>>
    %dma_start3A_43 = tpu.memref_squeeze %dma_start3A_42 : memref<1x128xi32, #tpu.memory_space<hbm>> -> memref<128xi32, #tpu.memory_space<hbm>>
    tpu.enqueue_dma source(%dma_start3A_43 : memref<128xi32, #tpu.memory_space<hbm>>) target(%dma_start3A_40 : memref<128xi32, #tpu.memory_space<vmem>>) target_semaphore(%dma_start3A_37 : memref<!tpu.dma_semaphore, #tpu.memory_space<semaphore_mem>>)
    %add3A_44 = arith.constant 2 : i32
    %add3A_45 = arith.addi %mul3A_4, %add3A_44 : i32
    %dma_start3A_46 = arith.constant 2 : i32
    %dma_start3A_47 = arith.constant 2 : i32
    %dma_start3A_48 = arith.constant 0 : i32
    %dma_start3A_49 = tpu.memref_slice %arg5[%dma_start3A_46, %dma_start3A_48] : memref<5x128xi32, #tpu.memory_space<vmem>> -> memref<1x128xi32, #tpu.memory_space<vmem>>
    %dma_start3A_50 = tpu.memref_squeeze %dma_start3A_49 : memref<1x128xi32, #tpu.memory_space<vmem>> -> memref<128xi32, #tpu.memory_space<vmem>>
    %dma_start3A_51 = arith.constant 0 : i32
    %dma_start3A_52 = tpu.memref_slice %arg2[%add3A_45, %dma_start3A_51] : memref<6400x128xi32, #tpu.memory_space<hbm>> -> memref<1x128xi32, #tpu.memory_space<hbm>>
    %dma_start3A_53 = tpu.memref_squeeze %dma_start3A_52 : memref<1x128xi32, #tpu.memory_space<hbm>> -> memref<128xi32, #tpu.memory_space<hbm>>
    %dma_start3A_54 = tpu.memref_slice %arg8[%dma_start3A_47] : memref<5x!tpu.dma_semaphore, #tpu.memory_space<semaphore_mem>> -> memref<1x!tpu.dma_semaphore, #tpu.memory_space<semaphore_mem>>
    %dma_start3A_55 = tpu.memref_squeeze %dma_start3A_54 : memref<1x!tpu.dma_semaphore, #tpu.memory_space<semaphore_mem>> -> memref<!tpu.dma_semaphore, #tpu.memory_space<semaphore_mem>>
    %dma_start3A_56 = arith.constant 0 : i32
    %dma_start3A_57 = tpu.memref_slice %arg5[%dma_start3A_46, %dma_start3A_56] : memref<5x128xi32, #tpu.memory_space<vmem>> -> memref<1x128xi32, #tpu.memory_space<vmem>>
    %dma_start3A_58 = tpu.memref_squeeze %dma_start3A_57 : memref<1x128xi32, #tpu.memory_space<vmem>> -> memref<128xi32, #tpu.memory_space<vmem>>
    %dma_start3A_59 = arith.constant 0 : i32
    %dma_start3A_60 = tpu.memref_slice %arg2[%add3A_45, %dma_start3A_59] : memref<6400x128xi32, #tpu.memory_space<hbm>> -> memref<1x128xi32, #tpu.memory_space<hbm>>
    %dma_start3A_61 = tpu.memref_squeeze %dma_start3A_60 : memref<1x128xi32, #tpu.memory_space<hbm>> -> memref<128xi32, #tpu.memory_space<hbm>>
    tpu.enqueue_dma source(%dma_start3A_61 : memref<128xi32, #tpu.memory_space<hbm>>) target(%dma_start3A_58 : memref<128xi32, #tpu.memory_space<vmem>>) target_semaphore(%dma_start3A_55 : memref<!tpu.dma_semaphore, #tpu.memory_space<semaphore_mem>>)
    %add3A_62 = arith.constant 3 : i32
    %add3A_63 = arith.addi %mul3A_4, %add3A_62 : i32
    %dma_start3A_64 = arith.constant 3 : i32
    %dma_start3A_65 = arith.constant 3 : i32
    %dma_start3A_66 = arith.constant 0 : i32
    %dma_start3A_67 = tpu.memref_slice %arg5[%dma_start3A_64, %dma_start3A_66] : memref<5x128xi32, #tpu.memory_space<vmem>> -> memref<1x128xi32, #tpu.memory_space<vmem>>
    %dma_start3A_68 = tpu.memref_squeeze %dma_start3A_67 : memref<1x128xi32, #tpu.memory_space<vmem>> -> memref<128xi32, #tpu.memory_space<vmem>>
    %dma_start3A_69 = arith.constant 0 : i32
    %dma_start3A_70 = tpu.memref_slice %arg2[%add3A_63, %dma_start3A_69] : memref<6400x128xi32, #tpu.memory_space<hbm>> -> memref<1x128xi32, #tpu.memory_space<hbm>>
    %dma_start3A_71 = tpu.memref_squeeze %dma_start3A_70 : memref<1x128xi32, #tpu.memory_space<hbm>> -> memref<128xi32, #tpu.memory_space<hbm>>
    %dma_start3A_72 = tpu.memref_slice %arg8[%dma_start3A_65] : memref<5x!tpu.dma_semaphore, #tpu.memory_space<semaphore_mem>> -> memref<1x!tpu.dma_semaphore, #tpu.memory_space<semaphore_mem>>
    %dma_start3A_73 = tpu.memref_squeeze %dma_start3A_72 : memref<1x!tpu.dma_semaphore, #tpu.memory_space<semaphore_mem>> -> memref<!tpu.dma_semaphore, #tpu.memory_space<semaphore_mem>>
    %dma_start3A_74 = arith.constant 0 : i32
    %dma_start3A_75 = tpu.memref_slice %arg5[%dma_start3A_64, %dma_start3A_74] : memref<5x128xi32, #tpu.memory_space<vmem>> -> memref<1x128xi32, #tpu.memory_space<vmem>>
    %dma_start3A_76 = tpu.memref_squeeze %dma_start3A_75 : memref<1x128xi32, #tpu.memory_space<vmem>> -> memref<128xi32, #tpu.memory_space<vmem>>
    %dma_start3A_77 = arith.constant 0 : i32
    %dma_start3A_78 = tpu.memref_slice %arg2[%add3A_63, %dma_start3A_77] : memref<6400x128xi32, #tpu.memory_space<hbm>> -> memref<1x128xi32, #tpu.memory_space<hbm>>
    %dma_start3A_79 = tpu.memref_squeeze %dma_start3A_78 : memref<1x128xi32, #tpu.memory_space<hbm>> -> memref<128xi32, #tpu.memory_space<hbm>>
    tpu.enqueue_dma source(%dma_start3A_79 : memref<128xi32, #tpu.memory_space<hbm>>) target(%dma_start3A_76 : memref<128xi32, #tpu.memory_space<vmem>>) target_semaphore(%dma_start3A_73 : memref<!tpu.dma_semaphore, #tpu.memory_space<semaphore_mem>>)
    %add3A_80 = arith.constant 4 : i32
    %add3A_81 = arith.addi %mul3A_4, %add3A_80 : i32
    %dma_start3A_82 = arith.constant 4 : i32
    %dma_start3A_83 = arith.constant 4 : i32
    %dma_start3A_84 = arith.constant 0 : i32
    %dma_start3A_85 = tpu.memref_slice %arg5[%dma_start3A_82, %dma_start3A_84] : memref<5x128xi32, #tpu.memory_space<vmem>> -> memref<1x128xi32, #tpu.memory_space<vmem>>
    %dma_start3A_86 = tpu.memref_squeeze %dma_start3A_85 : memref<1x128xi32, #tpu.memory_space<vmem>> -> memref<128xi32, #tpu.memory_space<vmem>>
    %dma_start3A_87 = arith.constant 0 : i32
    %dma_start3A_88 = tpu.memref_slice %arg2[%add3A_81, %dma_start3A_87] : memref<6400x128xi32, #tpu.memory_space<hbm>> -> memref<1x128xi32, #tpu.memory_space<hbm>>
    %dma_start3A_89 = tpu.memref_squeeze %dma_start3A_88 : memref<1x128xi32, #tpu.memory_space<hbm>> -> memref<128xi32, #tpu.memory_space<hbm>>
    %dma_start3A_90 = tpu.memref_slice %arg8[%dma_start3A_83] : memref<5x!tpu.dma_semaphore, #tpu.memory_space<semaphore_mem>> -> memref<1x!tpu.dma_semaphore, #tpu.memory_space<semaphore_mem>>
    %dma_start3A_91 = tpu.memref_squeeze %dma_start3A_90 : memref<1x!tpu.dma_semaphore, #tpu.memory_space<semaphore_mem>> -> memref<!tpu.dma_semaphore, #tpu.memory_space<semaphore_mem>>
    %dma_start3A_92 = arith.constant 0 : i32
    %dma_start3A_93 = tpu.memref_slice %arg5[%dma_start3A_82, %dma_start3A_92] : memref<5x128xi32, #tpu.memory_space<vmem>> -> memref<1x128xi32, #tpu.memory_space<vmem>>
    %dma_start3A_94 = tpu.memref_squeeze %dma_start3A_93 : memref<1x128xi32, #tpu.memory_space<vmem>> -> memref<128xi32, #tpu.memory_space<vmem>>
    %dma_start3A_95 = arith.constant 0 : i32
    %dma_start3A_96 = tpu.memref_slice %arg2[%add3A_81, %dma_start3A_95] : memref<6400x128xi32, #tpu.memory_space<hbm>> -> memref<1x128xi32, #tpu.memory_space<hbm>>
    %dma_start3A_97 = tpu.memref_squeeze %dma_start3A_96 : memref<1x128xi32, #tpu.memory_space<hbm>> -> memref<128xi32, #tpu.memory_space<hbm>>
    tpu.enqueue_dma source(%dma_start3A_97 : memref<128xi32, #tpu.memory_space<hbm>>) target(%dma_start3A_94 : memref<128xi32, #tpu.memory_space<vmem>>) target_semaphore(%dma_start3A_91 : memref<!tpu.dma_semaphore, #tpu.memory_space<semaphore_mem>>)
    %add3A_98 = arith.constant 0 : i32
    %add3A_99 = arith.addi %mul3A_4, %add3A_98 : i32
    %dma_wait3A = arith.constant 0 : i32
    %dma_wait3A_100 = arith.constant 0 : i32
    %dma_wait3A_101 = arith.constant 0 : i32
    %dma_wait3A_102 = tpu.memref_slice %arg5[%dma_wait3A, %dma_wait3A_101] : memref<5x128xi32, #tpu.memory_space<vmem>> -> memref<1x128xi32, #tpu.memory_space<vmem>>
    %dma_wait3A_103 = tpu.memref_squeeze %dma_wait3A_102 : memref<1x128xi32, #tpu.memory_space<vmem>> -> memref<128xi32, #tpu.memory_space<vmem>>
    %dma_wait3A_104 = arith.constant 0 : i32
    %dma_wait3A_105 = tpu.memref_slice %arg2[%add3A_99, %dma_wait3A_104] : memref<6400x128xi32, #tpu.memory_space<hbm>> -> memref<1x128xi32, #tpu.memory_space<hbm>>
    %dma_wait3A_106 = tpu.memref_squeeze %dma_wait3A_105 : memref<1x128xi32, #tpu.memory_space<hbm>> -> memref<128xi32, #tpu.memory_space<hbm>>
    %dma_wait3A_107 = tpu.memref_slice %arg8[%dma_wait3A_100] : memref<5x!tpu.dma_semaphore, #tpu.memory_space<semaphore_mem>> -> memref<1x!tpu.dma_semaphore, #tpu.memory_space<semaphore_mem>>
    %dma_wait3A_108 = tpu.memref_squeeze %dma_wait3A_107 : memref<1x!tpu.dma_semaphore, #tpu.memory_space<semaphore_mem>> -> memref<!tpu.dma_semaphore, #tpu.memory_space<semaphore_mem>>
    %dma_wait3A_109 = arith.constant 0 : i32
    %dma_wait3A_110 = tpu.memref_slice %arg5[%dma_wait3A, %dma_wait3A_109] : memref<5x128xi32, #tpu.memory_space<vmem>> -> memref<1x128xi32, #tpu.memory_space<vmem>>
    %dma_wait3A_111 = tpu.memref_squeeze %dma_wait3A_110 : memref<1x128xi32, #tpu.memory_space<vmem>> -> memref<128xi32, #tpu.memory_space<vmem>>
    %dma_wait3A_112 = arith.constant 0 : i32
    %dma_wait3A_113 = tpu.memref_slice %arg2[%add3A_99, %dma_wait3A_112] : memref<6400x128xi32, #tpu.memory_space<hbm>> -> memref<1x128xi32, #tpu.memory_space<hbm>>
    %dma_wait3A_114 = tpu.memref_squeeze %dma_wait3A_113 : memref<1x128xi32, #tpu.memory_space<hbm>> -> memref<128xi32, #tpu.memory_space<hbm>>
    tpu.wait_dma2 semaphore(%dma_wait3A_108 : memref<!tpu.dma_semaphore, #tpu.memory_space<semaphore_mem>>) src(%dma_wait3A_114 : memref<128xi32, #tpu.memory_space<hbm>>) dst(%dma_wait3A_111 : memref<128xi32, #tpu.memory_space<vmem>>)
    %dma_start3A_115 = arith.constant 0 : i32
    %dma_start3A_116 = arith.constant 0 : i32
    %dma_start3A_117 = arith.constant 0 : i32
    %dma_start3A_118 = arith.constant 0 : i32
    %dma_start3A_119 = arith.constant 0 : i32
    %dma_start3A_120 = tpu.memref_slice %arg6[%dma_start3A_116, %dma_start3A_118, %dma_start3A_119] : memref<5x128x128xf32, #tpu.memory_space<vmem>> -> memref<1x128x128xf32, #tpu.memory_space<vmem>>
    %dma_start3A_121 = tpu.memref_squeeze %dma_start3A_120 : memref<1x128x128xf32, #tpu.memory_space<vmem>> -> memref<128x128xf32, #tpu.memory_space<vmem>>
    %dma_start3A_122 = arith.constant 0 : i32
    %dma_start3A_123 = tpu.memref_slice %arg5[%dma_start3A_115, %dma_start3A_122] : memref<5x128xi32, #tpu.memory_space<vmem>> -> memref<1x128xi32, #tpu.memory_space<vmem>>
    %dma_start3A_124 = tpu.memref_squeeze %dma_start3A_123 : memref<1x128xi32, #tpu.memory_space<vmem>> -> memref<128xi32, #tpu.memory_space<vmem>>
    %dma_start3A_125 = arith.constant 0 : i32
    %dma_start3A_126 = arith.constant 0 : i32
    %dma_start3A_127 = tpu.memref_slice %arg7[%dma_start3A_125, %dma_start3A_126] : memref<4096x128xf32, #tpu.memory_space<vmem_shared>> -> memref<4096x128xf32, #tpu.memory_space<vmem_shared>>
    %dma_start3A_128 = tpu.memref_slice %arg9[%dma_start3A_117] : memref<5x!tpu.dma_semaphore, #tpu.memory_space<semaphore_mem>> -> memref<1x!tpu.dma_semaphore, #tpu.memory_space<semaphore_mem>>
    %dma_start3A_129 = tpu.memref_squeeze %dma_start3A_128 : memref<1x!tpu.dma_semaphore, #tpu.memory_space<semaphore_mem>> -> memref<!tpu.dma_semaphore, #tpu.memory_space<semaphore_mem>>
    tpu.enqueue_indirect_dma source(%dma_start3A_127 : memref<4096x128xf32, #tpu.memory_space<vmem_shared>>) target(%dma_start3A_121 : memref<128x128xf32, #tpu.memory_space<vmem>>) offsets(%dma_start3A_124 : memref<128xi32, #tpu.memory_space<vmem>>) semaphore(%dma_start3A_129 : memref<!tpu.dma_semaphore, #tpu.memory_space<semaphore_mem>>)
    %add3A_130 = arith.constant 1 : i32
    %add3A_131 = arith.addi %mul3A_4, %add3A_130 : i32
    %dma_wait3A_132 = arith.constant 1 : i32
    %dma_wait3A_133 = arith.constant 1 : i32
    %dma_wait3A_134 = arith.constant 0 : i32
    %dma_wait3A_135 = tpu.memref_slice %arg5[%dma_wait3A_132, %dma_wait3A_134] : memref<5x128xi32, #tpu.memory_space<vmem>> -> memref<1x128xi32, #tpu.memory_space<vmem>>
    %dma_wait3A_136 = tpu.memref_squeeze %dma_wait3A_135 : memref<1x128xi32, #tpu.memory_space<vmem>> -> memref<128xi32, #tpu.memory_space<vmem>>
    %dma_wait3A_137 = arith.constant 0 : i32
    %dma_wait3A_138 = tpu.memref_slice %arg2[%add3A_131, %dma_wait3A_137] : memref<6400x128xi32, #tpu.memory_space<hbm>> -> memref<1x128xi32, #tpu.memory_space<hbm>>
    %dma_wait3A_139 = tpu.memref_squeeze %dma_wait3A_138 : memref<1x128xi32, #tpu.memory_space<hbm>> -> memref<128xi32, #tpu.memory_space<hbm>>
    %dma_wait3A_140 = tpu.memref_slice %arg8[%dma_wait3A_133] : memref<5x!tpu.dma_semaphore, #tpu.memory_space<semaphore_mem>> -> memref<1x!tpu.dma_semaphore, #tpu.memory_space<semaphore_mem>>
    %dma_wait3A_141 = tpu.memref_squeeze %dma_wait3A_140 : memref<1x!tpu.dma_semaphore, #tpu.memory_space<semaphore_mem>> -> memref<!tpu.dma_semaphore, #tpu.memory_space<semaphore_mem>>
    %dma_wait3A_142 = arith.constant 0 : i32
    %dma_wait3A_143 = tpu.memref_slice %arg5[%dma_wait3A_132, %dma_wait3A_142] : memref<5x128xi32, #tpu.memory_space<vmem>> -> memref<1x128xi32, #tpu.memory_space<vmem>>
    %dma_wait3A_144 = tpu.memref_squeeze %dma_wait3A_143 : memref<1x128xi32, #tpu.memory_space<vmem>> -> memref<128xi32, #tpu.memory_space<vmem>>
    %dma_wait3A_145 = arith.constant 0 : i32
    %dma_wait3A_146 = tpu.memref_slice %arg2[%add3A_131, %dma_wait3A_145] : memref<6400x128xi32, #tpu.memory_space<hbm>> -> memref<1x128xi32, #tpu.memory_space<hbm>>
    %dma_wait3A_147 = tpu.memref_squeeze %dma_wait3A_146 : memref<1x128xi32, #tpu.memory_space<hbm>> -> memref<128xi32, #tpu.memory_space<hbm>>
    tpu.wait_dma2 semaphore(%dma_wait3A_141 : memref<!tpu.dma_semaphore, #tpu.memory_space<semaphore_mem>>) src(%dma_wait3A_147 : memref<128xi32, #tpu.memory_space<hbm>>) dst(%dma_wait3A_144 : memref<128xi32, #tpu.memory_space<vmem>>)
    %dma_start3A_148 = arith.constant 1 : i32
    %dma_start3A_149 = arith.constant 1 : i32
    %dma_start3A_150 = arith.constant 1 : i32
    %dma_start3A_151 = arith.constant 0 : i32
    %dma_start3A_152 = arith.constant 0 : i32
    %dma_start3A_153 = tpu.memref_slice %arg6[%dma_start3A_149, %dma_start3A_151, %dma_start3A_152] : memref<5x128x128xf32, #tpu.memory_space<vmem>> -> memref<1x128x128xf32, #tpu.memory_space<vmem>>
    %dma_start3A_154 = tpu.memref_squeeze %dma_start3A_153 : memref<1x128x128xf32, #tpu.memory_space<vmem>> -> memref<128x128xf32, #tpu.memory_space<vmem>>
    %dma_start3A_155 = arith.constant 0 : i32
    %dma_start3A_156 = tpu.memref_slice %arg5[%dma_start3A_148, %dma_start3A_155] : memref<5x128xi32, #tpu.memory_space<vmem>> -> memref<1x128xi32, #tpu.memory_space<vmem>>
    %dma_start3A_157 = tpu.memref_squeeze %dma_start3A_156 : memref<1x128xi32, #tpu.memory_space<vmem>> -> memref<128xi32, #tpu.memory_space<vmem>>
    %dma_start3A_158 = arith.constant 0 : i32
    %dma_start3A_159 = arith.constant 0 : i32
    %dma_start3A_160 = tpu.memref_slice %arg7[%dma_start3A_158, %dma_start3A_159] : memref<4096x128xf32, #tpu.memory_space<vmem_shared>> -> memref<4096x128xf32, #tpu.memory_space<vmem_shared>>
    %dma_start3A_161 = tpu.memref_slice %arg9[%dma_start3A_150] : memref<5x!tpu.dma_semaphore, #tpu.memory_space<semaphore_mem>> -> memref<1x!tpu.dma_semaphore, #tpu.memory_space<semaphore_mem>>
    %dma_start3A_162 = tpu.memref_squeeze %dma_start3A_161 : memref<1x!tpu.dma_semaphore, #tpu.memory_space<semaphore_mem>> -> memref<!tpu.dma_semaphore, #tpu.memory_space<semaphore_mem>>
    tpu.enqueue_indirect_dma source(%dma_start3A_160 : memref<4096x128xf32, #tpu.memory_space<vmem_shared>>) target(%dma_start3A_154 : memref<128x128xf32, #tpu.memory_space<vmem>>) offsets(%dma_start3A_157 : memref<128xi32, #tpu.memory_space<vmem>>) semaphore(%dma_start3A_162 : memref<!tpu.dma_semaphore, #tpu.memory_space<semaphore_mem>>)
    %add3A_163 = arith.constant 2 : i32
    %add3A_164 = arith.addi %mul3A_4, %add3A_163 : i32
    %dma_wait3A_165 = arith.constant 2 : i32
    %dma_wait3A_166 = arith.constant 2 : i32
    %dma_wait3A_167 = arith.constant 0 : i32
    %dma_wait3A_168 = tpu.memref_slice %arg5[%dma_wait3A_165, %dma_wait3A_167] : memref<5x128xi32, #tpu.memory_space<vmem>> -> memref<1x128xi32, #tpu.memory_space<vmem>>
    %dma_wait3A_169 = tpu.memref_squeeze %dma_wait3A_168 : memref<1x128xi32, #tpu.memory_space<vmem>> -> memref<128xi32, #tpu.memory_space<vmem>>
    %dma_wait3A_170 = arith.constant 0 : i32
    %dma_wait3A_171 = tpu.memref_slice %arg2[%add3A_164, %dma_wait3A_170] : memref<6400x128xi32, #tpu.memory_space<hbm>> -> memref<1x128xi32, #tpu.memory_space<hbm>>
    %dma_wait3A_172 = tpu.memref_squeeze %dma_wait3A_171 : memref<1x128xi32, #tpu.memory_space<hbm>> -> memref<128xi32, #tpu.memory_space<hbm>>
    %dma_wait3A_173 = tpu.memref_slice %arg8[%dma_wait3A_166] : memref<5x!tpu.dma_semaphore, #tpu.memory_space<semaphore_mem>> -> memref<1x!tpu.dma_semaphore, #tpu.memory_space<semaphore_mem>>
    %dma_wait3A_174 = tpu.memref_squeeze %dma_wait3A_173 : memref<1x!tpu.dma_semaphore, #tpu.memory_space<semaphore_mem>> -> memref<!tpu.dma_semaphore, #tpu.memory_space<semaphore_mem>>
    %dma_wait3A_175 = arith.constant 0 : i32
    %dma_wait3A_176 = tpu.memref_slice %arg5[%dma_wait3A_165, %dma_wait3A_175] : memref<5x128xi32, #tpu.memory_space<vmem>> -> memref<1x128xi32, #tpu.memory_space<vmem>>
    %dma_wait3A_177 = tpu.memref_squeeze %dma_wait3A_176 : memref<1x128xi32, #tpu.memory_space<vmem>> -> memref<128xi32, #tpu.memory_space<vmem>>
    %dma_wait3A_178 = arith.constant 0 : i32
    %dma_wait3A_179 = tpu.memref_slice %arg2[%add3A_164, %dma_wait3A_178] : memref<6400x128xi32, #tpu.memory_space<hbm>> -> memref<1x128xi32, #tpu.memory_space<hbm>>
    %dma_wait3A_180 = tpu.memref_squeeze %dma_wait3A_179 : memref<1x128xi32, #tpu.memory_space<hbm>> -> memref<128xi32, #tpu.memory_space<hbm>>
    tpu.wait_dma2 semaphore(%dma_wait3A_174 : memref<!tpu.dma_semaphore, #tpu.memory_space<semaphore_mem>>) src(%dma_wait3A_180 : memref<128xi32, #tpu.memory_space<hbm>>) dst(%dma_wait3A_177 : memref<128xi32, #tpu.memory_space<vmem>>)
    %dma_start3A_181 = arith.constant 2 : i32
    %dma_start3A_182 = arith.constant 2 : i32
    %dma_start3A_183 = arith.constant 2 : i32
    %dma_start3A_184 = arith.constant 0 : i32
    %dma_start3A_185 = arith.constant 0 : i32
    %dma_start3A_186 = tpu.memref_slice %arg6[%dma_start3A_182, %dma_start3A_184, %dma_start3A_185] : memref<5x128x128xf32, #tpu.memory_space<vmem>> -> memref<1x128x128xf32, #tpu.memory_space<vmem>>
    %dma_start3A_187 = tpu.memref_squeeze %dma_start3A_186 : memref<1x128x128xf32, #tpu.memory_space<vmem>> -> memref<128x128xf32, #tpu.memory_space<vmem>>
    %dma_start3A_188 = arith.constant 0 : i32
    %dma_start3A_189 = tpu.memref_slice %arg5[%dma_start3A_181, %dma_start3A_188] : memref<5x128xi32, #tpu.memory_space<vmem>> -> memref<1x128xi32, #tpu.memory_space<vmem>>
    %dma_start3A_190 = tpu.memref_squeeze %dma_start3A_189 : memref<1x128xi32, #tpu.memory_space<vmem>> -> memref<128xi32, #tpu.memory_space<vmem>>
    %dma_start3A_191 = arith.constant 0 : i32
    %dma_start3A_192 = arith.constant 0 : i32
    %dma_start3A_193 = tpu.memref_slice %arg7[%dma_start3A_191, %dma_start3A_192] : memref<4096x128xf32, #tpu.memory_space<vmem_shared>> -> memref<4096x128xf32, #tpu.memory_space<vmem_shared>>
    %dma_start3A_194 = tpu.memref_slice %arg9[%dma_start3A_183] : memref<5x!tpu.dma_semaphore, #tpu.memory_space<semaphore_mem>> -> memref<1x!tpu.dma_semaphore, #tpu.memory_space<semaphore_mem>>
    %dma_start3A_195 = tpu.memref_squeeze %dma_start3A_194 : memref<1x!tpu.dma_semaphore, #tpu.memory_space<semaphore_mem>> -> memref<!tpu.dma_semaphore, #tpu.memory_space<semaphore_mem>>
    tpu.enqueue_indirect_dma source(%dma_start3A_193 : memref<4096x128xf32, #tpu.memory_space<vmem_shared>>) target(%dma_start3A_187 : memref<128x128xf32, #tpu.memory_space<vmem>>) offsets(%dma_start3A_190 : memref<128xi32, #tpu.memory_space<vmem>>) semaphore(%dma_start3A_195 : memref<!tpu.dma_semaphore, #tpu.memory_space<semaphore_mem>>)
    %add3A_196 = arith.constant 3 : i32
    %add3A_197 = arith.addi %mul3A_4, %add3A_196 : i32
    %dma_wait3A_198 = arith.constant 3 : i32
    %dma_wait3A_199 = arith.constant 3 : i32
    %dma_wait3A_200 = arith.constant 0 : i32
    %dma_wait3A_201 = tpu.memref_slice %arg5[%dma_wait3A_198, %dma_wait3A_200] : memref<5x128xi32, #tpu.memory_space<vmem>> -> memref<1x128xi32, #tpu.memory_space<vmem>>
    %dma_wait3A_202 = tpu.memref_squeeze %dma_wait3A_201 : memref<1x128xi32, #tpu.memory_space<vmem>> -> memref<128xi32, #tpu.memory_space<vmem>>
    %dma_wait3A_203 = arith.constant 0 : i32
    %dma_wait3A_204 = tpu.memref_slice %arg2[%add3A_197, %dma_wait3A_203] : memref<6400x128xi32, #tpu.memory_space<hbm>> -> memref<1x128xi32, #tpu.memory_space<hbm>>
    %dma_wait3A_205 = tpu.memref_squeeze %dma_wait3A_204 : memref<1x128xi32, #tpu.memory_space<hbm>> -> memref<128xi32, #tpu.memory_space<hbm>>
    %dma_wait3A_206 = tpu.memref_slice %arg8[%dma_wait3A_199] : memref<5x!tpu.dma_semaphore, #tpu.memory_space<semaphore_mem>> -> memref<1x!tpu.dma_semaphore, #tpu.memory_space<semaphore_mem>>
    %dma_wait3A_207 = tpu.memref_squeeze %dma_wait3A_206 : memref<1x!tpu.dma_semaphore, #tpu.memory_space<semaphore_mem>> -> memref<!tpu.dma_semaphore, #tpu.memory_space<semaphore_mem>>
    %dma_wait3A_208 = arith.constant 0 : i32
    %dma_wait3A_209 = tpu.memref_slice %arg5[%dma_wait3A_198, %dma_wait3A_208] : memref<5x128xi32, #tpu.memory_space<vmem>> -> memref<1x128xi32, #tpu.memory_space<vmem>>
    %dma_wait3A_210 = tpu.memref_squeeze %dma_wait3A_209 : memref<1x128xi32, #tpu.memory_space<vmem>> -> memref<128xi32, #tpu.memory_space<vmem>>
    %dma_wait3A_211 = arith.constant 0 : i32
    %dma_wait3A_212 = tpu.memref_slice %arg2[%add3A_197, %dma_wait3A_211] : memref<6400x128xi32, #tpu.memory_space<hbm>> -> memref<1x128xi32, #tpu.memory_space<hbm>>
    %dma_wait3A_213 = tpu.memref_squeeze %dma_wait3A_212 : memref<1x128xi32, #tpu.memory_space<hbm>> -> memref<128xi32, #tpu.memory_space<hbm>>
    tpu.wait_dma2 semaphore(%dma_wait3A_207 : memref<!tpu.dma_semaphore, #tpu.memory_space<semaphore_mem>>) src(%dma_wait3A_213 : memref<128xi32, #tpu.memory_space<hbm>>) dst(%dma_wait3A_210 : memref<128xi32, #tpu.memory_space<vmem>>)
    %dma_start3A_214 = arith.constant 3 : i32
    %dma_start3A_215 = arith.constant 3 : i32
    %dma_start3A_216 = arith.constant 3 : i32
    %dma_start3A_217 = arith.constant 0 : i32
    %dma_start3A_218 = arith.constant 0 : i32
    %dma_start3A_219 = tpu.memref_slice %arg6[%dma_start3A_215, %dma_start3A_217, %dma_start3A_218] : memref<5x128x128xf32, #tpu.memory_space<vmem>> -> memref<1x128x128xf32, #tpu.memory_space<vmem>>
    %dma_start3A_220 = tpu.memref_squeeze %dma_start3A_219 : memref<1x128x128xf32, #tpu.memory_space<vmem>> -> memref<128x128xf32, #tpu.memory_space<vmem>>
    %dma_start3A_221 = arith.constant 0 : i32
    %dma_start3A_222 = tpu.memref_slice %arg5[%dma_start3A_214, %dma_start3A_221] : memref<5x128xi32, #tpu.memory_space<vmem>> -> memref<1x128xi32, #tpu.memory_space<vmem>>
    %dma_start3A_223 = tpu.memref_squeeze %dma_start3A_222 : memref<1x128xi32, #tpu.memory_space<vmem>> -> memref<128xi32, #tpu.memory_space<vmem>>
    %dma_start3A_224 = arith.constant 0 : i32
    %dma_start3A_225 = arith.constant 0 : i32
    %dma_start3A_226 = tpu.memref_slice %arg7[%dma_start3A_224, %dma_start3A_225] : memref<4096x128xf32, #tpu.memory_space<vmem_shared>> -> memref<4096x128xf32, #tpu.memory_space<vmem_shared>>
    %dma_start3A_227 = tpu.memref_slice %arg9[%dma_start3A_216] : memref<5x!tpu.dma_semaphore, #tpu.memory_space<semaphore_mem>> -> memref<1x!tpu.dma_semaphore, #tpu.memory_space<semaphore_mem>>
    %dma_start3A_228 = tpu.memref_squeeze %dma_start3A_227 : memref<1x!tpu.dma_semaphore, #tpu.memory_space<semaphore_mem>> -> memref<!tpu.dma_semaphore, #tpu.memory_space<semaphore_mem>>
    tpu.enqueue_indirect_dma source(%dma_start3A_226 : memref<4096x128xf32, #tpu.memory_space<vmem_shared>>) target(%dma_start3A_220 : memref<128x128xf32, #tpu.memory_space<vmem>>) offsets(%dma_start3A_223 : memref<128xi32, #tpu.memory_space<vmem>>) semaphore(%dma_start3A_228 : memref<!tpu.dma_semaphore, #tpu.memory_space<semaphore_mem>>)
    %add3A_229 = arith.constant 4 : i32
    %add3A_230 = arith.addi %mul3A_4, %add3A_229 : i32
    %dma_wait3A_231 = arith.constant 4 : i32
    %dma_wait3A_232 = arith.constant 4 : i32
    %dma_wait3A_233 = arith.constant 0 : i32
    %dma_wait3A_234 = tpu.memref_slice %arg5[%dma_wait3A_231, %dma_wait3A_233] : memref<5x128xi32, #tpu.memory_space<vmem>> -> memref<1x128xi32, #tpu.memory_space<vmem>>
    %dma_wait3A_235 = tpu.memref_squeeze %dma_wait3A_234 : memref<1x128xi32, #tpu.memory_space<vmem>> -> memref<128xi32, #tpu.memory_space<vmem>>
    %dma_wait3A_236 = arith.constant 0 : i32
    %dma_wait3A_237 = tpu.memref_slice %arg2[%add3A_230, %dma_wait3A_236] : memref<6400x128xi32, #tpu.memory_space<hbm>> -> memref<1x128xi32, #tpu.memory_space<hbm>>
    %dma_wait3A_238 = tpu.memref_squeeze %dma_wait3A_237 : memref<1x128xi32, #tpu.memory_space<hbm>> -> memref<128xi32, #tpu.memory_space<hbm>>
    %dma_wait3A_239 = tpu.memref_slice %arg8[%dma_wait3A_232] : memref<5x!tpu.dma_semaphore, #tpu.memory_space<semaphore_mem>> -> memref<1x!tpu.dma_semaphore, #tpu.memory_space<semaphore_mem>>
    %dma_wait3A_240 = tpu.memref_squeeze %dma_wait3A_239 : memref<1x!tpu.dma_semaphore, #tpu.memory_space<semaphore_mem>> -> memref<!tpu.dma_semaphore, #tpu.memory_space<semaphore_mem>>
    %dma_wait3A_241 = arith.constant 0 : i32
    %dma_wait3A_242 = tpu.memref_slice %arg5[%dma_wait3A_231, %dma_wait3A_241] : memref<5x128xi32, #tpu.memory_space<vmem>> -> memref<1x128xi32, #tpu.memory_space<vmem>>
    %dma_wait3A_243 = tpu.memref_squeeze %dma_wait3A_242 : memref<1x128xi32, #tpu.memory_space<vmem>> -> memref<128xi32, #tpu.memory_space<vmem>>
    %dma_wait3A_244 = arith.constant 0 : i32
    %dma_wait3A_245 = tpu.memref_slice %arg2[%add3A_230, %dma_wait3A_244] : memref<6400x128xi32, #tpu.memory_space<hbm>> -> memref<1x128xi32, #tpu.memory_space<hbm>>
    %dma_wait3A_246 = tpu.memref_squeeze %dma_wait3A_245 : memref<1x128xi32, #tpu.memory_space<hbm>> -> memref<128xi32, #tpu.memory_space<hbm>>
    tpu.wait_dma2 semaphore(%dma_wait3A_240 : memref<!tpu.dma_semaphore, #tpu.memory_space<semaphore_mem>>) src(%dma_wait3A_246 : memref<128xi32, #tpu.memory_space<hbm>>) dst(%dma_wait3A_243 : memref<128xi32, #tpu.memory_space<vmem>>)
    %dma_start3A_247 = arith.constant 4 : i32
    %dma_start3A_248 = arith.constant 4 : i32
    %dma_start3A_249 = arith.constant 4 : i32
    %dma_start3A_250 = arith.constant 0 : i32
    %dma_start3A_251 = arith.constant 0 : i32
    %dma_start3A_252 = tpu.memref_slice %arg6[%dma_start3A_248, %dma_start3A_250, %dma_start3A_251] : memref<5x128x128xf32, #tpu.memory_space<vmem>> -> memref<1x128x128xf32, #tpu.memory_space<vmem>>
    %dma_start3A_253 = tpu.memref_squeeze %dma_start3A_252 : memref<1x128x128xf32, #tpu.memory_space<vmem>> -> memref<128x128xf32, #tpu.memory_space<vmem>>
    %dma_start3A_254 = arith.constant 0 : i32
    %dma_start3A_255 = tpu.memref_slice %arg5[%dma_start3A_247, %dma_start3A_254] : memref<5x128xi32, #tpu.memory_space<vmem>> -> memref<1x128xi32, #tpu.memory_space<vmem>>
    %dma_start3A_256 = tpu.memref_squeeze %dma_start3A_255 : memref<1x128xi32, #tpu.memory_space<vmem>> -> memref<128xi32, #tpu.memory_space<vmem>>
    %dma_start3A_257 = arith.constant 0 : i32
    %dma_start3A_258 = arith.constant 0 : i32
    %dma_start3A_259 = tpu.memref_slice %arg7[%dma_start3A_257, %dma_start3A_258] : memref<4096x128xf32, #tpu.memory_space<vmem_shared>> -> memref<4096x128xf32, #tpu.memory_space<vmem_shared>>
    %dma_start3A_260 = tpu.memref_slice %arg9[%dma_start3A_249] : memref<5x!tpu.dma_semaphore, #tpu.memory_space<semaphore_mem>> -> memref<1x!tpu.dma_semaphore, #tpu.memory_space<semaphore_mem>>
    %dma_start3A_261 = tpu.memref_squeeze %dma_start3A_260 : memref<1x!tpu.dma_semaphore, #tpu.memory_space<semaphore_mem>> -> memref<!tpu.dma_semaphore, #tpu.memory_space<semaphore_mem>>
    tpu.enqueue_indirect_dma source(%dma_start3A_259 : memref<4096x128xf32, #tpu.memory_space<vmem_shared>>) target(%dma_start3A_253 : memref<128x128xf32, #tpu.memory_space<vmem>>) offsets(%dma_start3A_256 : memref<128xi32, #tpu.memory_space<vmem>>) semaphore(%dma_start3A_261 : memref<!tpu.dma_semaphore, #tpu.memory_space<semaphore_mem>>)
    %scan3A = arith.constant 0 : i32
    %scan3A_262 = arith.constant 40 : i32
    %scan3A_263 = arith.addi %scan3A, %scan3A_262 : i32
    %scan3A_264 = arith.constant 1 : i32
    scf.for %scan3A_266 = %scan3A to %scan3A_263 step %scan3A_264  : i32 {
      %mul3A_267 = arith.constant 5 : i32
      %mul3A_268 = arith.muli %scan3A_266, %mul3A_267 : i32
      %add3A_269 = arith.constant 0 : i32
      %add3A_270 = arith.addi %add3A_269, %mul3A_268 : i32
      %add3A_271 = arith.constant 0 : i32
      %add3A_272 = arith.addi %add3A_270, %add3A_271 : i32
      %dma_wait3A_273 = arith.constant 0 : i32
      %dma_wait3A_274 = arith.constant 0 : i32
      %dma_wait3A_275 = arith.constant 0 : i32
      %dma_wait3A_276 = arith.constant 0 : i32
      %dma_wait3A_277 = arith.constant 0 : i32
      %dma_wait3A_278 = tpu.memref_slice %arg6[%dma_wait3A_274, %dma_wait3A_276, %dma_wait3A_277] : memref<5x128x128xf32, #tpu.memory_space<vmem>> -> memref<1x128x128xf32, #tpu.memory_space<vmem>>
      %dma_wait3A_279 = tpu.memref_squeeze %dma_wait3A_278 : memref<1x128x128xf32, #tpu.memory_space<vmem>> -> memref<128x128xf32, #tpu.memory_space<vmem>>
      %dma_wait3A_280 = arith.constant 0 : i32
      %dma_wait3A_281 = tpu.memref_slice %arg5[%dma_wait3A_273, %dma_wait3A_280] : memref<5x128xi32, #tpu.memory_space<vmem>> -> memref<1x128xi32, #tpu.memory_space<vmem>>
      %dma_wait3A_282 = tpu.memref_squeeze %dma_wait3A_281 : memref<1x128xi32, #tpu.memory_space<vmem>> -> memref<128xi32, #tpu.memory_space<vmem>>
      %dma_wait3A_283 = arith.constant 0 : i32
      %dma_wait3A_284 = arith.constant 0 : i32
      %dma_wait3A_285 = tpu.memref_slice %arg7[%dma_wait3A_283, %dma_wait3A_284] : memref<4096x128xf32, #tpu.memory_space<vmem_shared>> -> memref<4096x128xf32, #tpu.memory_space<vmem_shared>>
      %dma_wait3A_286 = tpu.memref_slice %arg9[%dma_wait3A_275] : memref<5x!tpu.dma_semaphore, #tpu.memory_space<semaphore_mem>> -> memref<1x!tpu.dma_semaphore, #tpu.memory_space<semaphore_mem>>
      %dma_wait3A_287 = tpu.memref_squeeze %dma_wait3A_286 : memref<1x!tpu.dma_semaphore, #tpu.memory_space<semaphore_mem>> -> memref<!tpu.dma_semaphore, #tpu.memory_space<semaphore_mem>>
      tpu.wait_indirect_dma semaphore(%dma_wait3A_287 : memref<!tpu.dma_semaphore, #tpu.memory_space<semaphore_mem>>) src(%dma_wait3A_285 : memref<4096x128xf32, #tpu.memory_space<vmem_shared>>) dst(%dma_wait3A_279 : memref<128x128xf32, #tpu.memory_space<vmem>>)
      %add3A_288 = arith.constant 5 : i32
      %add3A_289 = arith.addi %add3A_272, %add3A_288 : i32
      %lt3A = arith.constant 200 : i32
      %lt3A_290 = arith.cmpi slt, %add3A_289, %lt3A : i32
      %convert_element_type3A = arith.extui %lt3A_290 : i1 to i32
      %cond3A = arith.constant 0 : i32
      %cond3A_291 = arith.cmpi ne, %convert_element_type3A, %cond3A : i32
      scf.if %cond3A_291 {
        %add3A_623 = arith.addi %mul3A_4, %add3A_289 : i32
        %dma_start3A_624 = arith.constant 0 : i32
        %dma_start3A_625 = arith.constant 0 : i32
        %dma_start3A_626 = arith.constant 0 : i32
        %dma_start3A_627 = tpu.memref_slice %arg5[%dma_start3A_624, %dma_start3A_626] : memref<5x128xi32, #tpu.memory_space<vmem>> -> memref<1x128xi32, #tpu.memory_space<vmem>>
        %dma_start3A_628 = tpu.memref_squeeze %dma_start3A_627 : memref<1x128xi32, #tpu.memory_space<vmem>> -> memref<128xi32, #tpu.memory_space<vmem>>
        %dma_start3A_629 = arith.constant 0 : i32
        %dma_start3A_630 = tpu.memref_slice %arg2[%add3A_623, %dma_start3A_629] : memref<6400x128xi32, #tpu.memory_space<hbm>> -> memref<1x128xi32, #tpu.memory_space<hbm>>
        %dma_start3A_631 = tpu.memref_squeeze %dma_start3A_630 : memref<1x128xi32, #tpu.memory_space<hbm>> -> memref<128xi32, #tpu.memory_space<hbm>>
        %dma_start3A_632 = tpu.memref_slice %arg8[%dma_start3A_625] : memref<5x!tpu.dma_semaphore, #tpu.memory_space<semaphore_mem>> -> memref<1x!tpu.dma_semaphore, #tpu.memory_space<semaphore_mem>>
        %dma_start3A_633 = tpu.memref_squeeze %dma_start3A_632 : memref<1x!tpu.dma_semaphore, #tpu.memory_space<semaphore_mem>> -> memref<!tpu.dma_semaphore, #tpu.memory_space<semaphore_mem>>
        %dma_start3A_634 = arith.constant 0 : i32
        %dma_start3A_635 = tpu.memref_slice %arg5[%dma_start3A_624, %dma_start3A_634] : memref<5x128xi32, #tpu.memory_space<vmem>> -> memref<1x128xi32, #tpu.memory_space<vmem>>
        %dma_start3A_636 = tpu.memref_squeeze %dma_start3A_635 : memref<1x128xi32, #tpu.memory_space<vmem>> -> memref<128xi32, #tpu.memory_space<vmem>>
        %dma_start3A_637 = arith.constant 0 : i32
        %dma_start3A_638 = tpu.memref_slice %arg2[%add3A_623, %dma_start3A_637] : memref<6400x128xi32, #tpu.memory_space<hbm>> -> memref<1x128xi32, #tpu.memory_space<hbm>>
        %dma_start3A_639 = tpu.memref_squeeze %dma_start3A_638 : memref<1x128xi32, #tpu.memory_space<hbm>> -> memref<128xi32, #tpu.memory_space<hbm>>
        tpu.enqueue_dma source(%dma_start3A_639 : memref<128xi32, #tpu.memory_space<hbm>>) target(%dma_start3A_636 : memref<128xi32, #tpu.memory_space<vmem>>) target_semaphore(%dma_start3A_633 : memref<!tpu.dma_semaphore, #tpu.memory_space<semaphore_mem>>)
      } else {
      }
      %mul3A_292 = arith.constant 128 : i32
      %mul3A_293 = arith.muli %add3A_272, %mul3A_292 : i32
      %add3A_294 = arith.addi %mul3A_2, %mul3A_293 : i32
      %dma_start3A_295 = arith.constant 0 : i32
      %dma_start3A_296 = arith.constant 0 : i32
      %dma_start3A_297 = arith.constant 0 : i32
      %dma_start3A_298 = arith.constant 0 : i32
      %dma_start3A_299 = tpu.memref_slice %arg6[%dma_start3A_295, %dma_start3A_297, %dma_start3A_298] : memref<5x128x128xf32, #tpu.memory_space<vmem>> -> memref<1x128x128xf32, #tpu.memory_space<vmem>>
      %dma_start3A_300 = tpu.memref_squeeze %dma_start3A_299 : memref<1x128x128xf32, #tpu.memory_space<vmem>> -> memref<128x128xf32, #tpu.memory_space<vmem>>
      %dma_start3A_301 = arith.constant 0 : i32
      %dma_start3A_302 = tpu.memref_slice %arg4[%add3A_294, %dma_start3A_301] : memref<819200x128xf32, #tpu.memory_space<hbm>> -> memref<128x128xf32, #tpu.memory_space<hbm>>
      %dma_start3A_303 = tpu.memref_slice %arg10[%dma_start3A_296] : memref<5x!tpu.dma_semaphore, #tpu.memory_space<semaphore_mem>> -> memref<1x!tpu.dma_semaphore, #tpu.memory_space<semaphore_mem>>
      %dma_start3A_304 = tpu.memref_squeeze %dma_start3A_303 : memref<1x!tpu.dma_semaphore, #tpu.memory_space<semaphore_mem>> -> memref<!tpu.dma_semaphore, #tpu.memory_space<semaphore_mem>>
      %dma_start3A_305 = arith.constant 0 : i32
      %dma_start3A_306 = tpu.memref_slice %arg4[%add3A_294, %dma_start3A_305] : memref<819200x128xf32, #tpu.memory_space<hbm>> -> memref<128x128xf32, #tpu.memory_space<hbm>>
      %dma_start3A_307 = arith.constant 0 : i32
      %dma_start3A_308 = arith.constant 0 : i32
      %dma_start3A_309 = tpu.memref_slice %arg6[%dma_start3A_295, %dma_start3A_307, %dma_start3A_308] : memref<5x128x128xf32, #tpu.memory_space<vmem>> -> memref<1x128x128xf32, #tpu.memory_space<vmem>>
      %dma_start3A_310 = tpu.memref_squeeze %dma_start3A_309 : memref<1x128x128xf32, #tpu.memory_space<vmem>> -> memref<128x128xf32, #tpu.memory_space<vmem>>
      tpu.enqueue_dma source(%dma_start3A_310 : memref<128x128xf32, #tpu.memory_space<vmem>>) target(%dma_start3A_306 : memref<128x128xf32, #tpu.memory_space<hbm>>) target_semaphore(%dma_start3A_304 : memref<!tpu.dma_semaphore, #tpu.memory_space<semaphore_mem>>)
      %add3A_311 = arith.constant 1 : i32
      %add3A_312 = arith.addi %add3A_270, %add3A_311 : i32
      %dma_wait3A_313 = arith.constant 1 : i32
      %dma_wait3A_314 = arith.constant 1 : i32
      %dma_wait3A_315 = arith.constant 1 : i32
      %dma_wait3A_316 = arith.constant 0 : i32
      %dma_wait3A_317 = arith.constant 0 : i32
      %dma_wait3A_318 = tpu.memref_slice %arg6[%dma_wait3A_314, %dma_wait3A_316, %dma_wait3A_317] : memref<5x128x128xf32, #tpu.memory_space<vmem>> -> memref<1x128x128xf32, #tpu.memory_space<vmem>>
      %dma_wait3A_319 = tpu.memref_squeeze %dma_wait3A_318 : memref<1x128x128xf32, #tpu.memory_space<vmem>> -> memref<128x128xf32, #tpu.memory_space<vmem>>
      %dma_wait3A_320 = arith.constant 0 : i32
      %dma_wait3A_321 = tpu.memref_slice %arg5[%dma_wait3A_313, %dma_wait3A_320] : memref<5x128xi32, #tpu.memory_space<vmem>> -> memref<1x128xi32, #tpu.memory_space<vmem>>
      %dma_wait3A_322 = tpu.memref_squeeze %dma_wait3A_321 : memref<1x128xi32, #tpu.memory_space<vmem>> -> memref<128xi32, #tpu.memory_space<vmem>>
      %dma_wait3A_323 = arith.constant 0 : i32
      %dma_wait3A_324 = arith.constant 0 : i32
      %dma_wait3A_325 = tpu.memref_slice %arg7[%dma_wait3A_323, %dma_wait3A_324] : memref<4096x128xf32, #tpu.memory_space<vmem_shared>> -> memref<4096x128xf32, #tpu.memory_space<vmem_shared>>
      %dma_wait3A_326 = tpu.memref_slice %arg9[%dma_wait3A_315] : memref<5x!tpu.dma_semaphore, #tpu.memory_space<semaphore_mem>> -> memref<1x!tpu.dma_semaphore, #tpu.memory_space<semaphore_mem>>
      %dma_wait3A_327 = tpu.memref_squeeze %dma_wait3A_326 : memref<1x!tpu.dma_semaphore, #tpu.memory_space<semaphore_mem>> -> memref<!tpu.dma_semaphore, #tpu.memory_space<semaphore_mem>>
      tpu.wait_indirect_dma semaphore(%dma_wait3A_327 : memref<!tpu.dma_semaphore, #tpu.memory_space<semaphore_mem>>) src(%dma_wait3A_325 : memref<4096x128xf32, #tpu.memory_space<vmem_shared>>) dst(%dma_wait3A_319 : memref<128x128xf32, #tpu.memory_space<vmem>>)
      %add3A_328 = arith.constant 5 : i32
      %add3A_329 = arith.addi %add3A_312, %add3A_328 : i32
      %lt3A_330 = arith.constant 200 : i32
      %lt3A_331 = arith.cmpi slt, %add3A_329, %lt3A_330 : i32
      %convert_element_type3A_332 = arith.extui %lt3A_331 : i1 to i32
      %cond3A_333 = arith.constant 0 : i32
      %cond3A_334 = arith.cmpi ne, %convert_element_type3A_332, %cond3A_333 : i32
      scf.if %cond3A_334 {
        %add3A_623 = arith.addi %mul3A_4, %add3A_329 : i32
        %dma_start3A_624 = arith.constant 1 : i32
        %dma_start3A_625 = arith.constant 1 : i32
        %dma_start3A_626 = arith.constant 0 : i32
        %dma_start3A_627 = tpu.memref_slice %arg5[%dma_start3A_624, %dma_start3A_626] : memref<5x128xi32, #tpu.memory_space<vmem>> -> memref<1x128xi32, #tpu.memory_space<vmem>>
        %dma_start3A_628 = tpu.memref_squeeze %dma_start3A_627 : memref<1x128xi32, #tpu.memory_space<vmem>> -> memref<128xi32, #tpu.memory_space<vmem>>
        %dma_start3A_629 = arith.constant 0 : i32
        %dma_start3A_630 = tpu.memref_slice %arg2[%add3A_623, %dma_start3A_629] : memref<6400x128xi32, #tpu.memory_space<hbm>> -> memref<1x128xi32, #tpu.memory_space<hbm>>
        %dma_start3A_631 = tpu.memref_squeeze %dma_start3A_630 : memref<1x128xi32, #tpu.memory_space<hbm>> -> memref<128xi32, #tpu.memory_space<hbm>>
        %dma_start3A_632 = tpu.memref_slice %arg8[%dma_start3A_625] : memref<5x!tpu.dma_semaphore, #tpu.memory_space<semaphore_mem>> -> memref<1x!tpu.dma_semaphore, #tpu.memory_space<semaphore_mem>>
        %dma_start3A_633 = tpu.memref_squeeze %dma_start3A_632 : memref<1x!tpu.dma_semaphore, #tpu.memory_space<semaphore_mem>> -> memref<!tpu.dma_semaphore, #tpu.memory_space<semaphore_mem>>
        %dma_start3A_634 = arith.constant 0 : i32
        %dma_start3A_635 = tpu.memref_slice %arg5[%dma_start3A_624, %dma_start3A_634] : memref<5x128xi32, #tpu.memory_space<vmem>> -> memref<1x128xi32, #tpu.memory_space<vmem>>
        %dma_start3A_636 = tpu.memref_squeeze %dma_start3A_635 : memref<1x128xi32, #tpu.memory_space<vmem>> -> memref<128xi32, #tpu.memory_space<vmem>>
        %dma_start3A_637 = arith.constant 0 : i32
        %dma_start3A_638 = tpu.memref_slice %arg2[%add3A_623, %dma_start3A_637] : memref<6400x128xi32, #tpu.memory_space<hbm>> -> memref<1x128xi32, #tpu.memory_space<hbm>>
        %dma_start3A_639 = tpu.memref_squeeze %dma_start3A_638 : memref<1x128xi32, #tpu.memory_space<hbm>> -> memref<128xi32, #tpu.memory_space<hbm>>
        tpu.enqueue_dma source(%dma_start3A_639 : memref<128xi32, #tpu.memory_space<hbm>>) target(%dma_start3A_636 : memref<128xi32, #tpu.memory_space<vmem>>) target_semaphore(%dma_start3A_633 : memref<!tpu.dma_semaphore, #tpu.memory_space<semaphore_mem>>)
      } else {
      }
      %mul3A_335 = arith.constant 128 : i32
      %mul3A_336 = arith.muli %add3A_312, %mul3A_335 : i32
      %add3A_337 = arith.addi %mul3A_2, %mul3A_336 : i32
      %dma_start3A_338 = arith.constant 1 : i32
      %dma_start3A_339 = arith.constant 1 : i32
      %dma_start3A_340 = arith.constant 0 : i32
      %dma_start3A_341 = arith.constant 0 : i32
      %dma_start3A_342 = tpu.memref_slice %arg6[%dma_start3A_338, %dma_start3A_340, %dma_start3A_341] : memref<5x128x128xf32, #tpu.memory_space<vmem>> -> memref<1x128x128xf32, #tpu.memory_space<vmem>>
      %dma_start3A_343 = tpu.memref_squeeze %dma_start3A_342 : memref<1x128x128xf32, #tpu.memory_space<vmem>> -> memref<128x128xf32, #tpu.memory_space<vmem>>
      %dma_start3A_344 = arith.constant 0 : i32
      %dma_start3A_345 = tpu.memref_slice %arg4[%add3A_337, %dma_start3A_344] : memref<819200x128xf32, #tpu.memory_space<hbm>> -> memref<128x128xf32, #tpu.memory_space<hbm>>
      %dma_start3A_346 = tpu.memref_slice %arg10[%dma_start3A_339] : memref<5x!tpu.dma_semaphore, #tpu.memory_space<semaphore_mem>> -> memref<1x!tpu.dma_semaphore, #tpu.memory_space<semaphore_mem>>
      %dma_start3A_347 = tpu.memref_squeeze %dma_start3A_346 : memref<1x!tpu.dma_semaphore, #tpu.memory_space<semaphore_mem>> -> memref<!tpu.dma_semaphore, #tpu.memory_space<semaphore_mem>>
      %dma_start3A_348 = arith.constant 0 : i32
      %dma_start3A_349 = tpu.memref_slice %arg4[%add3A_337, %dma_start3A_348] : memref<819200x128xf32, #tpu.memory_space<hbm>> -> memref<128x128xf32, #tpu.memory_space<hbm>>
      %dma_start3A_350 = arith.constant 0 : i32
      %dma_start3A_351 = arith.constant 0 : i32
      %dma_start3A_352 = tpu.memref_slice %arg6[%dma_start3A_338, %dma_start3A_350, %dma_start3A_351] : memref<5x128x128xf32, #tpu.memory_space<vmem>> -> memref<1x128x128xf32, #tpu.memory_space<vmem>>
      %dma_start3A_353 = tpu.memref_squeeze %dma_start3A_352 : memref<1x128x128xf32, #tpu.memory_space<vmem>> -> memref<128x128xf32, #tpu.memory_space<vmem>>
      tpu.enqueue_dma source(%dma_start3A_353 : memref<128x128xf32, #tpu.memory_space<vmem>>) target(%dma_start3A_349 : memref<128x128xf32, #tpu.memory_space<hbm>>) target_semaphore(%dma_start3A_347 : memref<!tpu.dma_semaphore, #tpu.memory_space<semaphore_mem>>)
      %add3A_354 = arith.constant 2 : i32
      %add3A_355 = arith.addi %add3A_270, %add3A_354 : i32
      %dma_wait3A_356 = arith.constant 2 : i32
      %dma_wait3A_357 = arith.constant 2 : i32
      %dma_wait3A_358 = arith.constant 2 : i32
      %dma_wait3A_359 = arith.constant 0 : i32
      %dma_wait3A_360 = arith.constant 0 : i32
      %dma_wait3A_361 = tpu.memref_slice %arg6[%dma_wait3A_357, %dma_wait3A_359, %dma_wait3A_360] : memref<5x128x128xf32, #tpu.memory_space<vmem>> -> memref<1x128x128xf32, #tpu.memory_space<vmem>>
      %dma_wait3A_362 = tpu.memref_squeeze %dma_wait3A_361 : memref<1x128x128xf32, #tpu.memory_space<vmem>> -> memref<128x128xf32, #tpu.memory_space<vmem>>
      %dma_wait3A_363 = arith.constant 0 : i32
      %dma_wait3A_364 = tpu.memref_slice %arg5[%dma_wait3A_356, %dma_wait3A_363] : memref<5x128xi32, #tpu.memory_space<vmem>> -> memref<1x128xi32, #tpu.memory_space<vmem>>
      %dma_wait3A_365 = tpu.memref_squeeze %dma_wait3A_364 : memref<1x128xi32, #tpu.memory_space<vmem>> -> memref<128xi32, #tpu.memory_space<vmem>>
      %dma_wait3A_366 = arith.constant 0 : i32
      %dma_wait3A_367 = arith.constant 0 : i32
      %dma_wait3A_368 = tpu.memref_slice %arg7[%dma_wait3A_366, %dma_wait3A_367] : memref<4096x128xf32, #tpu.memory_space<vmem_shared>> -> memref<4096x128xf32, #tpu.memory_space<vmem_shared>>
      %dma_wait3A_369 = tpu.memref_slice %arg9[%dma_wait3A_358] : memref<5x!tpu.dma_semaphore, #tpu.memory_space<semaphore_mem>> -> memref<1x!tpu.dma_semaphore, #tpu.memory_space<semaphore_mem>>
      %dma_wait3A_370 = tpu.memref_squeeze %dma_wait3A_369 : memref<1x!tpu.dma_semaphore, #tpu.memory_space<semaphore_mem>> -> memref<!tpu.dma_semaphore, #tpu.memory_space<semaphore_mem>>
      tpu.wait_indirect_dma semaphore(%dma_wait3A_370 : memref<!tpu.dma_semaphore, #tpu.memory_space<semaphore_mem>>) src(%dma_wait3A_368 : memref<4096x128xf32, #tpu.memory_space<vmem_shared>>) dst(%dma_wait3A_362 : memref<128x128xf32, #tpu.memory_space<vmem>>)
      %add3A_371 = arith.constant 5 : i32
      %add3A_372 = arith.addi %add3A_355, %add3A_371 : i32
      %lt3A_373 = arith.constant 200 : i32
      %lt3A_374 = arith.cmpi slt, %add3A_372, %lt3A_373 : i32
      %convert_element_type3A_375 = arith.extui %lt3A_374 : i1 to i32
      %cond3A_376 = arith.constant 0 : i32
      %cond3A_377 = arith.cmpi ne, %convert_element_type3A_375, %cond3A_376 : i32
      scf.if %cond3A_377 {
        %add3A_623 = arith.addi %mul3A_4, %add3A_372 : i32
        %dma_start3A_624 = arith.constant 2 : i32
        %dma_start3A_625 = arith.constant 2 : i32
        %dma_start3A_626 = arith.constant 0 : i32
        %dma_start3A_627 = tpu.memref_slice %arg5[%dma_start3A_624, %dma_start3A_626] : memref<5x128xi32, #tpu.memory_space<vmem>> -> memref<1x128xi32, #tpu.memory_space<vmem>>
        %dma_start3A_628 = tpu.memref_squeeze %dma_start3A_627 : memref<1x128xi32, #tpu.memory_space<vmem>> -> memref<128xi32, #tpu.memory_space<vmem>>
        %dma_start3A_629 = arith.constant 0 : i32
        %dma_start3A_630 = tpu.memref_slice %arg2[%add3A_623, %dma_start3A_629] : memref<6400x128xi32, #tpu.memory_space<hbm>> -> memref<1x128xi32, #tpu.memory_space<hbm>>
        %dma_start3A_631 = tpu.memref_squeeze %dma_start3A_630 : memref<1x128xi32, #tpu.memory_space<hbm>> -> memref<128xi32, #tpu.memory_space<hbm>>
        %dma_start3A_632 = tpu.memref_slice %arg8[%dma_start3A_625] : memref<5x!tpu.dma_semaphore, #tpu.memory_space<semaphore_mem>> -> memref<1x!tpu.dma_semaphore, #tpu.memory_space<semaphore_mem>>
        %dma_start3A_633 = tpu.memref_squeeze %dma_start3A_632 : memref<1x!tpu.dma_semaphore, #tpu.memory_space<semaphore_mem>> -> memref<!tpu.dma_semaphore, #tpu.memory_space<semaphore_mem>>
        %dma_start3A_634 = arith.constant 0 : i32
        %dma_start3A_635 = tpu.memref_slice %arg5[%dma_start3A_624, %dma_start3A_634] : memref<5x128xi32, #tpu.memory_space<vmem>> -> memref<1x128xi32, #tpu.memory_space<vmem>>
        %dma_start3A_636 = tpu.memref_squeeze %dma_start3A_635 : memref<1x128xi32, #tpu.memory_space<vmem>> -> memref<128xi32, #tpu.memory_space<vmem>>
        %dma_start3A_637 = arith.constant 0 : i32
        %dma_start3A_638 = tpu.memref_slice %arg2[%add3A_623, %dma_start3A_637] : memref<6400x128xi32, #tpu.memory_space<hbm>> -> memref<1x128xi32, #tpu.memory_space<hbm>>
        %dma_start3A_639 = tpu.memref_squeeze %dma_start3A_638 : memref<1x128xi32, #tpu.memory_space<hbm>> -> memref<128xi32, #tpu.memory_space<hbm>>
        tpu.enqueue_dma source(%dma_start3A_639 : memref<128xi32, #tpu.memory_space<hbm>>) target(%dma_start3A_636 : memref<128xi32, #tpu.memory_space<vmem>>) target_semaphore(%dma_start3A_633 : memref<!tpu.dma_semaphore, #tpu.memory_space<semaphore_mem>>)
      } else {
      }
      %mul3A_378 = arith.constant 128 : i32
      %mul3A_379 = arith.muli %add3A_355, %mul3A_378 : i32
      %add3A_380 = arith.addi %mul3A_2, %mul3A_379 : i32
      %dma_start3A_381 = arith.constant 2 : i32
      %dma_start3A_382 = arith.constant 2 : i32
      %dma_start3A_383 = arith.constant 0 : i32
      %dma_start3A_384 = arith.constant 0 : i32
      %dma_start3A_385 = tpu.memref_slice %arg6[%dma_start3A_381, %dma_start3A_383, %dma_start3A_384] : memref<5x128x128xf32, #tpu.memory_space<vmem>> -> memref<1x128x128xf32, #tpu.memory_space<vmem>>
      %dma_start3A_386 = tpu.memref_squeeze %dma_start3A_385 : memref<1x128x128xf32, #tpu.memory_space<vmem>> -> memref<128x128xf32, #tpu.memory_space<vmem>>
      %dma_start3A_387 = arith.constant 0 : i32
      %dma_start3A_388 = tpu.memref_slice %arg4[%add3A_380, %dma_start3A_387] : memref<819200x128xf32, #tpu.memory_space<hbm>> -> memref<128x128xf32, #tpu.memory_space<hbm>>
      %dma_start3A_389 = tpu.memref_slice %arg10[%dma_start3A_382] : memref<5x!tpu.dma_semaphore, #tpu.memory_space<semaphore_mem>> -> memref<1x!tpu.dma_semaphore, #tpu.memory_space<semaphore_mem>>
      %dma_start3A_390 = tpu.memref_squeeze %dma_start3A_389 : memref<1x!tpu.dma_semaphore, #tpu.memory_space<semaphore_mem>> -> memref<!tpu.dma_semaphore, #tpu.memory_space<semaphore_mem>>
      %dma_start3A_391 = arith.constant 0 : i32
      %dma_start3A_392 = tpu.memref_slice %arg4[%add3A_380, %dma_start3A_391] : memref<819200x128xf32, #tpu.memory_space<hbm>> -> memref<128x128xf32, #tpu.memory_space<hbm>>
      %dma_start3A_393 = arith.constant 0 : i32
      %dma_start3A_394 = arith.constant 0 : i32
      %dma_start3A_395 = tpu.memref_slice %arg6[%dma_start3A_381, %dma_start3A_393, %dma_start3A_394] : memref<5x128x128xf32, #tpu.memory_space<vmem>> -> memref<1x128x128xf32, #tpu.memory_space<vmem>>
      %dma_start3A_396 = tpu.memref_squeeze %dma_start3A_395 : memref<1x128x128xf32, #tpu.memory_space<vmem>> -> memref<128x128xf32, #tpu.memory_space<vmem>>
      tpu.enqueue_dma source(%dma_start3A_396 : memref<128x128xf32, #tpu.memory_space<vmem>>) target(%dma_start3A_392 : memref<128x128xf32, #tpu.memory_space<hbm>>) target_semaphore(%dma_start3A_390 : memref<!tpu.dma_semaphore, #tpu.memory_space<semaphore_mem>>)
      %add3A_397 = arith.constant 3 : i32
      %add3A_398 = arith.addi %add3A_270, %add3A_397 : i32
      %dma_wait3A_399 = arith.constant 3 : i32
      %dma_wait3A_400 = arith.constant 3 : i32
      %dma_wait3A_401 = arith.constant 3 : i32
      %dma_wait3A_402 = arith.constant 0 : i32
      %dma_wait3A_403 = arith.constant 0 : i32
      %dma_wait3A_404 = tpu.memref_slice %arg6[%dma_wait3A_400, %dma_wait3A_402, %dma_wait3A_403] : memref<5x128x128xf32, #tpu.memory_space<vmem>> -> memref<1x128x128xf32, #tpu.memory_space<vmem>>
      %dma_wait3A_405 = tpu.memref_squeeze %dma_wait3A_404 : memref<1x128x128xf32, #tpu.memory_space<vmem>> -> memref<128x128xf32, #tpu.memory_space<vmem>>
      %dma_wait3A_406 = arith.constant 0 : i32
      %dma_wait3A_407 = tpu.memref_slice %arg5[%dma_wait3A_399, %dma_wait3A_406] : memref<5x128xi32, #tpu.memory_space<vmem>> -> memref<1x128xi32, #tpu.memory_space<vmem>>
      %dma_wait3A_408 = tpu.memref_squeeze %dma_wait3A_407 : memref<1x128xi32, #tpu.memory_space<vmem>> -> memref<128xi32, #tpu.memory_space<vmem>>
      %dma_wait3A_409 = arith.constant 0 : i32
      %dma_wait3A_410 = arith.constant 0 : i32
      %dma_wait3A_411 = tpu.memref_slice %arg7[%dma_wait3A_409, %dma_wait3A_410] : memref<4096x128xf32, #tpu.memory_space<vmem_shared>> -> memref<4096x128xf32, #tpu.memory_space<vmem_shared>>
      %dma_wait3A_412 = tpu.memref_slice %arg9[%dma_wait3A_401] : memref<5x!tpu.dma_semaphore, #tpu.memory_space<semaphore_mem>> -> memref<1x!tpu.dma_semaphore, #tpu.memory_space<semaphore_mem>>
      %dma_wait3A_413 = tpu.memref_squeeze %dma_wait3A_412 : memref<1x!tpu.dma_semaphore, #tpu.memory_space<semaphore_mem>> -> memref<!tpu.dma_semaphore, #tpu.memory_space<semaphore_mem>>
      tpu.wait_indirect_dma semaphore(%dma_wait3A_413 : memref<!tpu.dma_semaphore, #tpu.memory_space<semaphore_mem>>) src(%dma_wait3A_411 : memref<4096x128xf32, #tpu.memory_space<vmem_shared>>) dst(%dma_wait3A_405 : memref<128x128xf32, #tpu.memory_space<vmem>>)
      %add3A_414 = arith.constant 5 : i32
      %add3A_415 = arith.addi %add3A_398, %add3A_414 : i32
      %lt3A_416 = arith.constant 200 : i32
      %lt3A_417 = arith.cmpi slt, %add3A_415, %lt3A_416 : i32
      %convert_element_type3A_418 = arith.extui %lt3A_417 : i1 to i32
      %cond3A_419 = arith.constant 0 : i32
      %cond3A_420 = arith.cmpi ne, %convert_element_type3A_418, %cond3A_419 : i32
      scf.if %cond3A_420 {
        %add3A_623 = arith.addi %mul3A_4, %add3A_415 : i32
        %dma_start3A_624 = arith.constant 3 : i32
        %dma_start3A_625 = arith.constant 3 : i32
        %dma_start3A_626 = arith.constant 0 : i32
        %dma_start3A_627 = tpu.memref_slice %arg5[%dma_start3A_624, %dma_start3A_626] : memref<5x128xi32, #tpu.memory_space<vmem>> -> memref<1x128xi32, #tpu.memory_space<vmem>>
        %dma_start3A_628 = tpu.memref_squeeze %dma_start3A_627 : memref<1x128xi32, #tpu.memory_space<vmem>> -> memref<128xi32, #tpu.memory_space<vmem>>
        %dma_start3A_629 = arith.constant 0 : i32
        %dma_start3A_630 = tpu.memref_slice %arg2[%add3A_623, %dma_start3A_629] : memref<6400x128xi32, #tpu.memory_space<hbm>> -> memref<1x128xi32, #tpu.memory_space<hbm>>
        %dma_start3A_631 = tpu.memref_squeeze %dma_start3A_630 : memref<1x128xi32, #tpu.memory_space<hbm>> -> memref<128xi32, #tpu.memory_space<hbm>>
        %dma_start3A_632 = tpu.memref_slice %arg8[%dma_start3A_625] : memref<5x!tpu.dma_semaphore, #tpu.memory_space<semaphore_mem>> -> memref<1x!tpu.dma_semaphore, #tpu.memory_space<semaphore_mem>>
        %dma_start3A_633 = tpu.memref_squeeze %dma_start3A_632 : memref<1x!tpu.dma_semaphore, #tpu.memory_space<semaphore_mem>> -> memref<!tpu.dma_semaphore, #tpu.memory_space<semaphore_mem>>
        %dma_start3A_634 = arith.constant 0 : i32
        %dma_start3A_635 = tpu.memref_slice %arg5[%dma_start3A_624, %dma_start3A_634] : memref<5x128xi32, #tpu.memory_space<vmem>> -> memref<1x128xi32, #tpu.memory_space<vmem>>
        %dma_start3A_636 = tpu.memref_squeeze %dma_start3A_635 : memref<1x128xi32, #tpu.memory_space<vmem>> -> memref<128xi32, #tpu.memory_space<vmem>>
        %dma_start3A_637 = arith.constant 0 : i32
        %dma_start3A_638 = tpu.memref_slice %arg2[%add3A_623, %dma_start3A_637] : memref<6400x128xi32, #tpu.memory_space<hbm>> -> memref<1x128xi32, #tpu.memory_space<hbm>>
        %dma_start3A_639 = tpu.memref_squeeze %dma_start3A_638 : memref<1x128xi32, #tpu.memory_space<hbm>> -> memref<128xi32, #tpu.memory_space<hbm>>
        tpu.enqueue_dma source(%dma_start3A_639 : memref<128xi32, #tpu.memory_space<hbm>>) target(%dma_start3A_636 : memref<128xi32, #tpu.memory_space<vmem>>) target_semaphore(%dma_start3A_633 : memref<!tpu.dma_semaphore, #tpu.memory_space<semaphore_mem>>)
      } else {
      }
      %mul3A_421 = arith.constant 128 : i32
      %mul3A_422 = arith.muli %add3A_398, %mul3A_421 : i32
      %add3A_423 = arith.addi %mul3A_2, %mul3A_422 : i32
      %dma_start3A_424 = arith.constant 3 : i32
      %dma_start3A_425 = arith.constant 3 : i32
      %dma_start3A_426 = arith.constant 0 : i32
      %dma_start3A_427 = arith.constant 0 : i32
      %dma_start3A_428 = tpu.memref_slice %arg6[%dma_start3A_424, %dma_start3A_426, %dma_start3A_427] : memref<5x128x128xf32, #tpu.memory_space<vmem>> -> memref<1x128x128xf32, #tpu.memory_space<vmem>>
      %dma_start3A_429 = tpu.memref_squeeze %dma_start3A_428 : memref<1x128x128xf32, #tpu.memory_space<vmem>> -> memref<128x128xf32, #tpu.memory_space<vmem>>
      %dma_start3A_430 = arith.constant 0 : i32
      %dma_start3A_431 = tpu.memref_slice %arg4[%add3A_423, %dma_start3A_430] : memref<819200x128xf32, #tpu.memory_space<hbm>> -> memref<128x128xf32, #tpu.memory_space<hbm>>
      %dma_start3A_432 = tpu.memref_slice %arg10[%dma_start3A_425] : memref<5x!tpu.dma_semaphore, #tpu.memory_space<semaphore_mem>> -> memref<1x!tpu.dma_semaphore, #tpu.memory_space<semaphore_mem>>
      %dma_start3A_433 = tpu.memref_squeeze %dma_start3A_432 : memref<1x!tpu.dma_semaphore, #tpu.memory_space<semaphore_mem>> -> memref<!tpu.dma_semaphore, #tpu.memory_space<semaphore_mem>>
      %dma_start3A_434 = arith.constant 0 : i32
      %dma_start3A_435 = tpu.memref_slice %arg4[%add3A_423, %dma_start3A_434] : memref<819200x128xf32, #tpu.memory_space<hbm>> -> memref<128x128xf32, #tpu.memory_space<hbm>>
      %dma_start3A_436 = arith.constant 0 : i32
      %dma_start3A_437 = arith.constant 0 : i32
      %dma_start3A_438 = tpu.memref_slice %arg6[%dma_start3A_424, %dma_start3A_436, %dma_start3A_437] : memref<5x128x128xf32, #tpu.memory_space<vmem>> -> memref<1x128x128xf32, #tpu.memory_space<vmem>>
      %dma_start3A_439 = tpu.memref_squeeze %dma_start3A_438 : memref<1x128x128xf32, #tpu.memory_space<vmem>> -> memref<128x128xf32, #tpu.memory_space<vmem>>
      tpu.enqueue_dma source(%dma_start3A_439 : memref<128x128xf32, #tpu.memory_space<vmem>>) target(%dma_start3A_435 : memref<128x128xf32, #tpu.memory_space<hbm>>) target_semaphore(%dma_start3A_433 : memref<!tpu.dma_semaphore, #tpu.memory_space<semaphore_mem>>)
      %add3A_440 = arith.constant 4 : i32
      %add3A_441 = arith.addi %add3A_270, %add3A_440 : i32
      %dma_wait3A_442 = arith.constant 4 : i32
      %dma_wait3A_443 = arith.constant 4 : i32
      %dma_wait3A_444 = arith.constant 4 : i32
      %dma_wait3A_445 = arith.constant 0 : i32
      %dma_wait3A_446 = arith.constant 0 : i32
      %dma_wait3A_447 = tpu.memref_slice %arg6[%dma_wait3A_443, %dma_wait3A_445, %dma_wait3A_446] : memref<5x128x128xf32, #tpu.memory_space<vmem>> -> memref<1x128x128xf32, #tpu.memory_space<vmem>>
      %dma_wait3A_448 = tpu.memref_squeeze %dma_wait3A_447 : memref<1x128x128xf32, #tpu.memory_space<vmem>> -> memref<128x128xf32, #tpu.memory_space<vmem>>
      %dma_wait3A_449 = arith.constant 0 : i32
      %dma_wait3A_450 = tpu.memref_slice %arg5[%dma_wait3A_442, %dma_wait3A_449] : memref<5x128xi32, #tpu.memory_space<vmem>> -> memref<1x128xi32, #tpu.memory_space<vmem>>
      %dma_wait3A_451 = tpu.memref_squeeze %dma_wait3A_450 : memref<1x128xi32, #tpu.memory_space<vmem>> -> memref<128xi32, #tpu.memory_space<vmem>>
      %dma_wait3A_452 = arith.constant 0 : i32
      %dma_wait3A_453 = arith.constant 0 : i32
      %dma_wait3A_454 = tpu.memref_slice %arg7[%dma_wait3A_452, %dma_wait3A_453] : memref<4096x128xf32, #tpu.memory_space<vmem_shared>> -> memref<4096x128xf32, #tpu.memory_space<vmem_shared>>
      %dma_wait3A_455 = tpu.memref_slice %arg9[%dma_wait3A_444] : memref<5x!tpu.dma_semaphore, #tpu.memory_space<semaphore_mem>> -> memref<1x!tpu.dma_semaphore, #tpu.memory_space<semaphore_mem>>
      %dma_wait3A_456 = tpu.memref_squeeze %dma_wait3A_455 : memref<1x!tpu.dma_semaphore, #tpu.memory_space<semaphore_mem>> -> memref<!tpu.dma_semaphore, #tpu.memory_space<semaphore_mem>>
      tpu.wait_indirect_dma semaphore(%dma_wait3A_456 : memref<!tpu.dma_semaphore, #tpu.memory_space<semaphore_mem>>) src(%dma_wait3A_454 : memref<4096x128xf32, #tpu.memory_space<vmem_shared>>) dst(%dma_wait3A_448 : memref<128x128xf32, #tpu.memory_space<vmem>>)
      %add3A_457 = arith.constant 5 : i32
      %add3A_458 = arith.addi %add3A_441, %add3A_457 : i32
      %lt3A_459 = arith.constant 200 : i32
      %lt3A_460 = arith.cmpi slt, %add3A_458, %lt3A_459 : i32
      %convert_element_type3A_461 = arith.extui %lt3A_460 : i1 to i32
      %cond3A_462 = arith.constant 0 : i32
      %cond3A_463 = arith.cmpi ne, %convert_element_type3A_461, %cond3A_462 : i32
      scf.if %cond3A_463 {
        %add3A_623 = arith.addi %mul3A_4, %add3A_458 : i32
        %dma_start3A_624 = arith.constant 4 : i32
        %dma_start3A_625 = arith.constant 4 : i32
        %dma_start3A_626 = arith.constant 0 : i32
        %dma_start3A_627 = tpu.memref_slice %arg5[%dma_start3A_624, %dma_start3A_626] : memref<5x128xi32, #tpu.memory_space<vmem>> -> memref<1x128xi32, #tpu.memory_space<vmem>>
        %dma_start3A_628 = tpu.memref_squeeze %dma_start3A_627 : memref<1x128xi32, #tpu.memory_space<vmem>> -> memref<128xi32, #tpu.memory_space<vmem>>
        %dma_start3A_629 = arith.constant 0 : i32
        %dma_start3A_630 = tpu.memref_slice %arg2[%add3A_623, %dma_start3A_629] : memref<6400x128xi32, #tpu.memory_space<hbm>> -> memref<1x128xi32, #tpu.memory_space<hbm>>
        %dma_start3A_631 = tpu.memref_squeeze %dma_start3A_630 : memref<1x128xi32, #tpu.memory_space<hbm>> -> memref<128xi32, #tpu.memory_space<hbm>>
        %dma_start3A_632 = tpu.memref_slice %arg8[%dma_start3A_625] : memref<5x!tpu.dma_semaphore, #tpu.memory_space<semaphore_mem>> -> memref<1x!tpu.dma_semaphore, #tpu.memory_space<semaphore_mem>>
        %dma_start3A_633 = tpu.memref_squeeze %dma_start3A_632 : memref<1x!tpu.dma_semaphore, #tpu.memory_space<semaphore_mem>> -> memref<!tpu.dma_semaphore, #tpu.memory_space<semaphore_mem>>
        %dma_start3A_634 = arith.constant 0 : i32
        %dma_start3A_635 = tpu.memref_slice %arg5[%dma_start3A_624, %dma_start3A_634] : memref<5x128xi32, #tpu.memory_space<vmem>> -> memref<1x128xi32, #tpu.memory_space<vmem>>
        %dma_start3A_636 = tpu.memref_squeeze %dma_start3A_635 : memref<1x128xi32, #tpu.memory_space<vmem>> -> memref<128xi32, #tpu.memory_space<vmem>>
        %dma_start3A_637 = arith.constant 0 : i32
        %dma_start3A_638 = tpu.memref_slice %arg2[%add3A_623, %dma_start3A_637] : memref<6400x128xi32, #tpu.memory_space<hbm>> -> memref<1x128xi32, #tpu.memory_space<hbm>>
        %dma_start3A_639 = tpu.memref_squeeze %dma_start3A_638 : memref<1x128xi32, #tpu.memory_space<hbm>> -> memref<128xi32, #tpu.memory_space<hbm>>
        tpu.enqueue_dma source(%dma_start3A_639 : memref<128xi32, #tpu.memory_space<hbm>>) target(%dma_start3A_636 : memref<128xi32, #tpu.memory_space<vmem>>) target_semaphore(%dma_start3A_633 : memref<!tpu.dma_semaphore, #tpu.memory_space<semaphore_mem>>)
      } else {
      }
      %mul3A_464 = arith.constant 128 : i32
      %mul3A_465 = arith.muli %add3A_441, %mul3A_464 : i32
      %add3A_466 = arith.addi %mul3A_2, %mul3A_465 : i32
      %dma_start3A_467 = arith.constant 4 : i32
      %dma_start3A_468 = arith.constant 4 : i32
      %dma_start3A_469 = arith.constant 0 : i32
      %dma_start3A_470 = arith.constant 0 : i32
      %dma_start3A_471 = tpu.memref_slice %arg6[%dma_start3A_467, %dma_start3A_469, %dma_start3A_470] : memref<5x128x128xf32, #tpu.memory_space<vmem>> -> memref<1x128x128xf32, #tpu.memory_space<vmem>>
      %dma_start3A_472 = tpu.memref_squeeze %dma_start3A_471 : memref<1x128x128xf32, #tpu.memory_space<vmem>> -> memref<128x128xf32, #tpu.memory_space<vmem>>
      %dma_start3A_473 = arith.constant 0 : i32
      %dma_start3A_474 = tpu.memref_slice %arg4[%add3A_466, %dma_start3A_473] : memref<819200x128xf32, #tpu.memory_space<hbm>> -> memref<128x128xf32, #tpu.memory_space<hbm>>
      %dma_start3A_475 = tpu.memref_slice %arg10[%dma_start3A_468] : memref<5x!tpu.dma_semaphore, #tpu.memory_space<semaphore_mem>> -> memref<1x!tpu.dma_semaphore, #tpu.memory_space<semaphore_mem>>
      %dma_start3A_476 = tpu.memref_squeeze %dma_start3A_475 : memref<1x!tpu.dma_semaphore, #tpu.memory_space<semaphore_mem>> -> memref<!tpu.dma_semaphore, #tpu.memory_space<semaphore_mem>>
      %dma_start3A_477 = arith.constant 0 : i32
      %dma_start3A_478 = tpu.memref_slice %arg4[%add3A_466, %dma_start3A_477] : memref<819200x128xf32, #tpu.memory_space<hbm>> -> memref<128x128xf32, #tpu.memory_space<hbm>>
      %dma_start3A_479 = arith.constant 0 : i32
      %dma_start3A_480 = arith.constant 0 : i32
      %dma_start3A_481 = tpu.memref_slice %arg6[%dma_start3A_467, %dma_start3A_479, %dma_start3A_480] : memref<5x128x128xf32, #tpu.memory_space<vmem>> -> memref<1x128x128xf32, #tpu.memory_space<vmem>>
      %dma_start3A_482 = tpu.memref_squeeze %dma_start3A_481 : memref<1x128x128xf32, #tpu.memory_space<vmem>> -> memref<128x128xf32, #tpu.memory_space<vmem>>
      tpu.enqueue_dma source(%dma_start3A_482 : memref<128x128xf32, #tpu.memory_space<vmem>>) target(%dma_start3A_478 : memref<128x128xf32, #tpu.memory_space<hbm>>) target_semaphore(%dma_start3A_476 : memref<!tpu.dma_semaphore, #tpu.memory_space<semaphore_mem>>)
      %add3A_483 = arith.constant 0 : i32
      %add3A_484 = arith.addi %add3A_270, %add3A_483 : i32
      %mul3A_485 = arith.constant 128 : i32
      %mul3A_486 = arith.muli %add3A_484, %mul3A_485 : i32
      %add3A_487 = arith.addi %mul3A_2, %mul3A_486 : i32
      %dma_wait3A_488 = arith.constant 0 : i32
      %dma_wait3A_489 = arith.constant 0 : i32
      %dma_wait3A_490 = arith.constant 0 : i32
      %dma_wait3A_491 = arith.constant 0 : i32
      %dma_wait3A_492 = tpu.memref_slice %arg6[%dma_wait3A_488, %dma_wait3A_490, %dma_wait3A_491] : memref<5x128x128xf32, #tpu.memory_space<vmem>> -> memref<1x128x128xf32, #tpu.memory_space<vmem>>
      %dma_wait3A_493 = tpu.memref_squeeze %dma_wait3A_492 : memref<1x128x128xf32, #tpu.memory_space<vmem>> -> memref<128x128xf32, #tpu.memory_space<vmem>>
      %dma_wait3A_494 = arith.constant 0 : i32
      %dma_wait3A_495 = tpu.memref_slice %arg4[%add3A_487, %dma_wait3A_494] : memref<819200x128xf32, #tpu.memory_space<hbm>> -> memref<128x128xf32, #tpu.memory_space<hbm>>
      %dma_wait3A_496 = tpu.memref_slice %arg10[%dma_wait3A_489] : memref<5x!tpu.dma_semaphore, #tpu.memory_space<semaphore_mem>> -> memref<1x!tpu.dma_semaphore, #tpu.memory_space<semaphore_mem>>
      %dma_wait3A_497 = tpu.memref_squeeze %dma_wait3A_496 : memref<1x!tpu.dma_semaphore, #tpu.memory_space<semaphore_mem>> -> memref<!tpu.dma_semaphore, #tpu.memory_space<semaphore_mem>>
      %dma_wait3A_498 = arith.constant 0 : i32
      %dma_wait3A_499 = tpu.memref_slice %arg4[%add3A_487, %dma_wait3A_498] : memref<819200x128xf32, #tpu.memory_space<hbm>> -> memref<128x128xf32, #tpu.memory_space<hbm>>
      %dma_wait3A_500 = arith.constant 0 : i32
      %dma_wait3A_501 = arith.constant 0 : i32
      %dma_wait3A_502 = tpu.memref_slice %arg6[%dma_wait3A_488, %dma_wait3A_500, %dma_wait3A_501] : memref<5x128x128xf32, #tpu.memory_space<vmem>> -> memref<1x128x128xf32, #tpu.memory_space<vmem>>
      %dma_wait3A_503 = tpu.memref_squeeze %dma_wait3A_502 : memref<1x128x128xf32, #tpu.memory_space<vmem>> -> memref<128x128xf32, #tpu.memory_space<vmem>>
      tpu.wait_dma2 semaphore(%dma_wait3A_497 : memref<!tpu.dma_semaphore, #tpu.memory_space<semaphore_mem>>) src(%dma_wait3A_503 : memref<128x128xf32, #tpu.memory_space<vmem>>) dst(%dma_wait3A_499 : memref<128x128xf32, #tpu.memory_space<hbm>>)
      %add3A_504 = arith.constant 5 : i32
      %add3A_505 = arith.addi %add3A_484, %add3A_504 : i32
      %lt3A_506 = arith.constant 200 : i32
      %lt3A_507 = arith.cmpi slt, %add3A_505, %lt3A_506 : i32
      %convert_element_type3A_508 = arith.extui %lt3A_507 : i1 to i32
      %cond3A_509 = arith.constant 0 : i32
      %cond3A_510 = arith.cmpi ne, %convert_element_type3A_508, %cond3A_509 : i32
      scf.if %cond3A_510 {
        %add3A_623 = arith.addi %mul3A_4, %add3A_505 : i32
        %dma_wait3A_624 = arith.constant 0 : i32
        %dma_wait3A_625 = arith.constant 0 : i32
        %dma_wait3A_626 = arith.constant 0 : i32
        %dma_wait3A_627 = tpu.memref_slice %arg5[%dma_wait3A_624, %dma_wait3A_626] : memref<5x128xi32, #tpu.memory_space<vmem>> -> memref<1x128xi32, #tpu.memory_space<vmem>>
        %dma_wait3A_628 = tpu.memref_squeeze %dma_wait3A_627 : memref<1x128xi32, #tpu.memory_space<vmem>> -> memref<128xi32, #tpu.memory_space<vmem>>
        %dma_wait3A_629 = arith.constant 0 : i32
        %dma_wait3A_630 = tpu.memref_slice %arg2[%add3A_623, %dma_wait3A_629] : memref<6400x128xi32, #tpu.memory_space<hbm>> -> memref<1x128xi32, #tpu.memory_space<hbm>>
        %dma_wait3A_631 = tpu.memref_squeeze %dma_wait3A_630 : memref<1x128xi32, #tpu.memory_space<hbm>> -> memref<128xi32, #tpu.memory_space<hbm>>
        %dma_wait3A_632 = tpu.memref_slice %arg8[%dma_wait3A_625] : memref<5x!tpu.dma_semaphore, #tpu.memory_space<semaphore_mem>> -> memref<1x!tpu.dma_semaphore, #tpu.memory_space<semaphore_mem>>
        %dma_wait3A_633 = tpu.memref_squeeze %dma_wait3A_632 : memref<1x!tpu.dma_semaphore, #tpu.memory_space<semaphore_mem>> -> memref<!tpu.dma_semaphore, #tpu.memory_space<semaphore_mem>>
        %dma_wait3A_634 = arith.constant 0 : i32
        %dma_wait3A_635 = tpu.memref_slice %arg5[%dma_wait3A_624, %dma_wait3A_634] : memref<5x128xi32, #tpu.memory_space<vmem>> -> memref<1x128xi32, #tpu.memory_space<vmem>>
        %dma_wait3A_636 = tpu.memref_squeeze %dma_wait3A_635 : memref<1x128xi32, #tpu.memory_space<vmem>> -> memref<128xi32, #tpu.memory_space<vmem>>
        %dma_wait3A_637 = arith.constant 0 : i32
        %dma_wait3A_638 = tpu.memref_slice %arg2[%add3A_623, %dma_wait3A_637] : memref<6400x128xi32, #tpu.memory_space<hbm>> -> memref<1x128xi32, #tpu.memory_space<hbm>>
        %dma_wait3A_639 = tpu.memref_squeeze %dma_wait3A_638 : memref<1x128xi32, #tpu.memory_space<hbm>> -> memref<128xi32, #tpu.memory_space<hbm>>
        tpu.wait_dma2 semaphore(%dma_wait3A_633 : memref<!tpu.dma_semaphore, #tpu.memory_space<semaphore_mem>>) src(%dma_wait3A_639 : memref<128xi32, #tpu.memory_space<hbm>>) dst(%dma_wait3A_636 : memref<128xi32, #tpu.memory_space<vmem>>)
        %dma_start3A_640 = arith.constant 0 : i32
        %dma_start3A_641 = arith.constant 0 : i32
        %dma_start3A_642 = arith.constant 0 : i32
        %dma_start3A_643 = arith.constant 0 : i32
        %dma_start3A_644 = arith.constant 0 : i32
        %dma_start3A_645 = tpu.memref_slice %arg6[%dma_start3A_641, %dma_start3A_643, %dma_start3A_644] : memref<5x128x128xf32, #tpu.memory_space<vmem>> -> memref<1x128x128xf32, #tpu.memory_space<vmem>>
        %dma_start3A_646 = tpu.memref_squeeze %dma_start3A_645 : memref<1x128x128xf32, #tpu.memory_space<vmem>> -> memref<128x128xf32, #tpu.memory_space<vmem>>
        %dma_start3A_647 = arith.constant 0 : i32
        %dma_start3A_648 = tpu.memref_slice %arg5[%dma_start3A_640, %dma_start3A_647] : memref<5x128xi32, #tpu.memory_space<vmem>> -> memref<1x128xi32, #tpu.memory_space<vmem>>
        %dma_start3A_649 = tpu.memref_squeeze %dma_start3A_648 : memref<1x128xi32, #tpu.memory_space<vmem>> -> memref<128xi32, #tpu.memory_space<vmem>>
        %dma_start3A_650 = arith.constant 0 : i32
        %dma_start3A_651 = arith.constant 0 : i32
        %dma_start3A_652 = tpu.memref_slice %arg7[%dma_start3A_650, %dma_start3A_651] : memref<4096x128xf32, #tpu.memory_space<vmem_shared>> -> memref<4096x128xf32, #tpu.memory_space<vmem_shared>>
        %dma_start3A_653 = tpu.memref_slice %arg9[%dma_start3A_642] : memref<5x!tpu.dma_semaphore, #tpu.memory_space<semaphore_mem>> -> memref<1x!tpu.dma_semaphore, #tpu.memory_space<semaphore_mem>>
        %dma_start3A_654 = tpu.memref_squeeze %dma_start3A_653 : memref<1x!tpu.dma_semaphore, #tpu.memory_space<semaphore_mem>> -> memref<!tpu.dma_semaphore, #tpu.memory_space<semaphore_mem>>
        tpu.enqueue_indirect_dma source(%dma_start3A_652 : memref<4096x128xf32, #tpu.memory_space<vmem_shared>>) target(%dma_start3A_646 : memref<128x128xf32, #tpu.memory_space<vmem>>) offsets(%dma_start3A_649 : memref<128xi32, #tpu.memory_space<vmem>>) semaphore(%dma_start3A_654 : memref<!tpu.dma_semaphore, #tpu.memory_space<semaphore_mem>>)
      } else {
      }
      %add3A_511 = arith.constant 1 : i32
      %add3A_512 = arith.addi %add3A_270, %add3A_511 : i32
      %mul3A_513 = arith.constant 128 : i32
      %mul3A_514 = arith.muli %add3A_512, %mul3A_513 : i32
      %add3A_515 = arith.addi %mul3A_2, %mul3A_514 : i32
      %dma_wait3A_516 = arith.constant 1 : i32
      %dma_wait3A_517 = arith.constant 1 : i32
      %dma_wait3A_518 = arith.constant 0 : i32
      %dma_wait3A_519 = arith.constant 0 : i32
      %dma_wait3A_520 = tpu.memref_slice %arg6[%dma_wait3A_516, %dma_wait3A_518, %dma_wait3A_519] : memref<5x128x128xf32, #tpu.memory_space<vmem>> -> memref<1x128x128xf32, #tpu.memory_space<vmem>>
      %dma_wait3A_521 = tpu.memref_squeeze %dma_wait3A_520 : memref<1x128x128xf32, #tpu.memory_space<vmem>> -> memref<128x128xf32, #tpu.memory_space<vmem>>
      %dma_wait3A_522 = arith.constant 0 : i32
      %dma_wait3A_523 = tpu.memref_slice %arg4[%add3A_515, %dma_wait3A_522] : memref<819200x128xf32, #tpu.memory_space<hbm>> -> memref<128x128xf32, #tpu.memory_space<hbm>>
      %dma_wait3A_524 = tpu.memref_slice %arg10[%dma_wait3A_517] : memref<5x!tpu.dma_semaphore, #tpu.memory_space<semaphore_mem>> -> memref<1x!tpu.dma_semaphore, #tpu.memory_space<semaphore_mem>>
      %dma_wait3A_525 = tpu.memref_squeeze %dma_wait3A_524 : memref<1x!tpu.dma_semaphore, #tpu.memory_space<semaphore_mem>> -> memref<!tpu.dma_semaphore, #tpu.memory_space<semaphore_mem>>
      %dma_wait3A_526 = arith.constant 0 : i32
      %dma_wait3A_527 = tpu.memref_slice %arg4[%add3A_515, %dma_wait3A_526] : memref<819200x128xf32, #tpu.memory_space<hbm>> -> memref<128x128xf32, #tpu.memory_space<hbm>>
      %dma_wait3A_528 = arith.constant 0 : i32
      %dma_wait3A_529 = arith.constant 0 : i32
      %dma_wait3A_530 = tpu.memref_slice %arg6[%dma_wait3A_516, %dma_wait3A_528, %dma_wait3A_529] : memref<5x128x128xf32, #tpu.memory_space<vmem>> -> memref<1x128x128xf32, #tpu.memory_space<vmem>>
      %dma_wait3A_531 = tpu.memref_squeeze %dma_wait3A_530 : memref<1x128x128xf32, #tpu.memory_space<vmem>> -> memref<128x128xf32, #tpu.memory_space<vmem>>
      tpu.wait_dma2 semaphore(%dma_wait3A_525 : memref<!tpu.dma_semaphore, #tpu.memory_space<semaphore_mem>>) src(%dma_wait3A_531 : memref<128x128xf32, #tpu.memory_space<vmem>>) dst(%dma_wait3A_527 : memref<128x128xf32, #tpu.memory_space<hbm>>)
      %add3A_532 = arith.constant 5 : i32
      %add3A_533 = arith.addi %add3A_512, %add3A_532 : i32
      %lt3A_534 = arith.constant 200 : i32
      %lt3A_535 = arith.cmpi slt, %add3A_533, %lt3A_534 : i32
      %convert_element_type3A_536 = arith.extui %lt3A_535 : i1 to i32
      %cond3A_537 = arith.constant 0 : i32
      %cond3A_538 = arith.cmpi ne, %convert_element_type3A_536, %cond3A_537 : i32
      scf.if %cond3A_538 {
        %add3A_623 = arith.addi %mul3A_4, %add3A_533 : i32
        %dma_wait3A_624 = arith.constant 1 : i32
        %dma_wait3A_625 = arith.constant 1 : i32
        %dma_wait3A_626 = arith.constant 0 : i32
        %dma_wait3A_627 = tpu.memref_slice %arg5[%dma_wait3A_624, %dma_wait3A_626] : memref<5x128xi32, #tpu.memory_space<vmem>> -> memref<1x128xi32, #tpu.memory_space<vmem>>
        %dma_wait3A_628 = tpu.memref_squeeze %dma_wait3A_627 : memref<1x128xi32, #tpu.memory_space<vmem>> -> memref<128xi32, #tpu.memory_space<vmem>>
        %dma_wait3A_629 = arith.constant 0 : i32
        %dma_wait3A_630 = tpu.memref_slice %arg2[%add3A_623, %dma_wait3A_629] : memref<6400x128xi32, #tpu.memory_space<hbm>> -> memref<1x128xi32, #tpu.memory_space<hbm>>
        %dma_wait3A_631 = tpu.memref_squeeze %dma_wait3A_630 : memref<1x128xi32, #tpu.memory_space<hbm>> -> memref<128xi32, #tpu.memory_space<hbm>>
        %dma_wait3A_632 = tpu.memref_slice %arg8[%dma_wait3A_625] : memref<5x!tpu.dma_semaphore, #tpu.memory_space<semaphore_mem>> -> memref<1x!tpu.dma_semaphore, #tpu.memory_space<semaphore_mem>>
        %dma_wait3A_633 = tpu.memref_squeeze %dma_wait3A_632 : memref<1x!tpu.dma_semaphore, #tpu.memory_space<semaphore_mem>> -> memref<!tpu.dma_semaphore, #tpu.memory_space<semaphore_mem>>
        %dma_wait3A_634 = arith.constant 0 : i32
        %dma_wait3A_635 = tpu.memref_slice %arg5[%dma_wait3A_624, %dma_wait3A_634] : memref<5x128xi32, #tpu.memory_space<vmem>> -> memref<1x128xi32, #tpu.memory_space<vmem>>
        %dma_wait3A_636 = tpu.memref_squeeze %dma_wait3A_635 : memref<1x128xi32, #tpu.memory_space<vmem>> -> memref<128xi32, #tpu.memory_space<vmem>>
        %dma_wait3A_637 = arith.constant 0 : i32
        %dma_wait3A_638 = tpu.memref_slice %arg2[%add3A_623, %dma_wait3A_637] : memref<6400x128xi32, #tpu.memory_space<hbm>> -> memref<1x128xi32, #tpu.memory_space<hbm>>
        %dma_wait3A_639 = tpu.memref_squeeze %dma_wait3A_638 : memref<1x128xi32, #tpu.memory_space<hbm>> -> memref<128xi32, #tpu.memory_space<hbm>>
        tpu.wait_dma2 semaphore(%dma_wait3A_633 : memref<!tpu.dma_semaphore, #tpu.memory_space<semaphore_mem>>) src(%dma_wait3A_639 : memref<128xi32, #tpu.memory_space<hbm>>) dst(%dma_wait3A_636 : memref<128xi32, #tpu.memory_space<vmem>>)
        %dma_start3A_640 = arith.constant 1 : i32
        %dma_start3A_641 = arith.constant 1 : i32
        %dma_start3A_642 = arith.constant 1 : i32
        %dma_start3A_643 = arith.constant 0 : i32
        %dma_start3A_644 = arith.constant 0 : i32
        %dma_start3A_645 = tpu.memref_slice %arg6[%dma_start3A_641, %dma_start3A_643, %dma_start3A_644] : memref<5x128x128xf32, #tpu.memory_space<vmem>> -> memref<1x128x128xf32, #tpu.memory_space<vmem>>
        %dma_start3A_646 = tpu.memref_squeeze %dma_start3A_645 : memref<1x128x128xf32, #tpu.memory_space<vmem>> -> memref<128x128xf32, #tpu.memory_space<vmem>>
        %dma_start3A_647 = arith.constant 0 : i32
        %dma_start3A_648 = tpu.memref_slice %arg5[%dma_start3A_640, %dma_start3A_647] : memref<5x128xi32, #tpu.memory_space<vmem>> -> memref<1x128xi32, #tpu.memory_space<vmem>>
        %dma_start3A_649 = tpu.memref_squeeze %dma_start3A_648 : memref<1x128xi32, #tpu.memory_space<vmem>> -> memref<128xi32, #tpu.memory_space<vmem>>
        %dma_start3A_650 = arith.constant 0 : i32
        %dma_start3A_651 = arith.constant 0 : i32
        %dma_start3A_652 = tpu.memref_slice %arg7[%dma_start3A_650, %dma_start3A_651] : memref<4096x128xf32, #tpu.memory_space<vmem_shared>> -> memref<4096x128xf32, #tpu.memory_space<vmem_shared>>
        %dma_start3A_653 = tpu.memref_slice %arg9[%dma_start3A_642] : memref<5x!tpu.dma_semaphore, #tpu.memory_space<semaphore_mem>> -> memref<1x!tpu.dma_semaphore, #tpu.memory_space<semaphore_mem>>
        %dma_start3A_654 = tpu.memref_squeeze %dma_start3A_653 : memref<1x!tpu.dma_semaphore, #tpu.memory_space<semaphore_mem>> -> memref<!tpu.dma_semaphore, #tpu.memory_space<semaphore_mem>>
        tpu.enqueue_indirect_dma source(%dma_start3A_652 : memref<4096x128xf32, #tpu.memory_space<vmem_shared>>) target(%dma_start3A_646 : memref<128x128xf32, #tpu.memory_space<vmem>>) offsets(%dma_start3A_649 : memref<128xi32, #tpu.memory_space<vmem>>) semaphore(%dma_start3A_654 : memref<!tpu.dma_semaphore, #tpu.memory_space<semaphore_mem>>)
      } else {
      }
      %add3A_539 = arith.constant 2 : i32
      %add3A_540 = arith.addi %add3A_270, %add3A_539 : i32
      %mul3A_541 = arith.constant 128 : i32
      %mul3A_542 = arith.muli %add3A_540, %mul3A_541 : i32
      %add3A_543 = arith.addi %mul3A_2, %mul3A_542 : i32
      %dma_wait3A_544 = arith.constant 2 : i32
      %dma_wait3A_545 = arith.constant 2 : i32
      %dma_wait3A_546 = arith.constant 0 : i32
      %dma_wait3A_547 = arith.constant 0 : i32
      %dma_wait3A_548 = tpu.memref_slice %arg6[%dma_wait3A_544, %dma_wait3A_546, %dma_wait3A_547] : memref<5x128x128xf32, #tpu.memory_space<vmem>> -> memref<1x128x128xf32, #tpu.memory_space<vmem>>
      %dma_wait3A_549 = tpu.memref_squeeze %dma_wait3A_548 : memref<1x128x128xf32, #tpu.memory_space<vmem>> -> memref<128x128xf32, #tpu.memory_space<vmem>>
      %dma_wait3A_550 = arith.constant 0 : i32
      %dma_wait3A_551 = tpu.memref_slice %arg4[%add3A_543, %dma_wait3A_550] : memref<819200x128xf32, #tpu.memory_space<hbm>> -> memref<128x128xf32, #tpu.memory_space<hbm>>
      %dma_wait3A_552 = tpu.memref_slice %arg10[%dma_wait3A_545] : memref<5x!tpu.dma_semaphore, #tpu.memory_space<semaphore_mem>> -> memref<1x!tpu.dma_semaphore, #tpu.memory_space<semaphore_mem>>
      %dma_wait3A_553 = tpu.memref_squeeze %dma_wait3A_552 : memref<1x!tpu.dma_semaphore, #tpu.memory_space<semaphore_mem>> -> memref<!tpu.dma_semaphore, #tpu.memory_space<semaphore_mem>>
      %dma_wait3A_554 = arith.constant 0 : i32
      %dma_wait3A_555 = tpu.memref_slice %arg4[%add3A_543, %dma_wait3A_554] : memref<819200x128xf32, #tpu.memory_space<hbm>> -> memref<128x128xf32, #tpu.memory_space<hbm>>
      %dma_wait3A_556 = arith.constant 0 : i32
      %dma_wait3A_557 = arith.constant 0 : i32
      %dma_wait3A_558 = tpu.memref_slice %arg6[%dma_wait3A_544, %dma_wait3A_556, %dma_wait3A_557] : memref<5x128x128xf32, #tpu.memory_space<vmem>> -> memref<1x128x128xf32, #tpu.memory_space<vmem>>
      %dma_wait3A_559 = tpu.memref_squeeze %dma_wait3A_558 : memref<1x128x128xf32, #tpu.memory_space<vmem>> -> memref<128x128xf32, #tpu.memory_space<vmem>>
      tpu.wait_dma2 semaphore(%dma_wait3A_553 : memref<!tpu.dma_semaphore, #tpu.memory_space<semaphore_mem>>) src(%dma_wait3A_559 : memref<128x128xf32, #tpu.memory_space<vmem>>) dst(%dma_wait3A_555 : memref<128x128xf32, #tpu.memory_space<hbm>>)
      %add3A_560 = arith.constant 5 : i32
      %add3A_561 = arith.addi %add3A_540, %add3A_560 : i32
      %lt3A_562 = arith.constant 200 : i32
      %lt3A_563 = arith.cmpi slt, %add3A_561, %lt3A_562 : i32
      %convert_element_type3A_564 = arith.extui %lt3A_563 : i1 to i32
      %cond3A_565 = arith.constant 0 : i32
      %cond3A_566 = arith.cmpi ne, %convert_element_type3A_564, %cond3A_565 : i32
      scf.if %cond3A_566 {
        %add3A_623 = arith.addi %mul3A_4, %add3A_561 : i32
        %dma_wait3A_624 = arith.constant 2 : i32
        %dma_wait3A_625 = arith.constant 2 : i32
        %dma_wait3A_626 = arith.constant 0 : i32
        %dma_wait3A_627 = tpu.memref_slice %arg5[%dma_wait3A_624, %dma_wait3A_626] : memref<5x128xi32, #tpu.memory_space<vmem>> -> memref<1x128xi32, #tpu.memory_space<vmem>>
        %dma_wait3A_628 = tpu.memref_squeeze %dma_wait3A_627 : memref<1x128xi32, #tpu.memory_space<vmem>> -> memref<128xi32, #tpu.memory_space<vmem>>
        %dma_wait3A_629 = arith.constant 0 : i32
        %dma_wait3A_630 = tpu.memref_slice %arg2[%add3A_623, %dma_wait3A_629] : memref<6400x128xi32, #tpu.memory_space<hbm>> -> memref<1x128xi32, #tpu.memory_space<hbm>>
        %dma_wait3A_631 = tpu.memref_squeeze %dma_wait3A_630 : memref<1x128xi32, #tpu.memory_space<hbm>> -> memref<128xi32, #tpu.memory_space<hbm>>
        %dma_wait3A_632 = tpu.memref_slice %arg8[%dma_wait3A_625] : memref<5x!tpu.dma_semaphore, #tpu.memory_space<semaphore_mem>> -> memref<1x!tpu.dma_semaphore, #tpu.memory_space<semaphore_mem>>
        %dma_wait3A_633 = tpu.memref_squeeze %dma_wait3A_632 : memref<1x!tpu.dma_semaphore, #tpu.memory_space<semaphore_mem>> -> memref<!tpu.dma_semaphore, #tpu.memory_space<semaphore_mem>>
        %dma_wait3A_634 = arith.constant 0 : i32
        %dma_wait3A_635 = tpu.memref_slice %arg5[%dma_wait3A_624, %dma_wait3A_634] : memref<5x128xi32, #tpu.memory_space<vmem>> -> memref<1x128xi32, #tpu.memory_space<vmem>>
        %dma_wait3A_636 = tpu.memref_squeeze %dma_wait3A_635 : memref<1x128xi32, #tpu.memory_space<vmem>> -> memref<128xi32, #tpu.memory_space<vmem>>
        %dma_wait3A_637 = arith.constant 0 : i32
        %dma_wait3A_638 = tpu.memref_slice %arg2[%add3A_623, %dma_wait3A_637] : memref<6400x128xi32, #tpu.memory_space<hbm>> -> memref<1x128xi32, #tpu.memory_space<hbm>>
        %dma_wait3A_639 = tpu.memref_squeeze %dma_wait3A_638 : memref<1x128xi32, #tpu.memory_space<hbm>> -> memref<128xi32, #tpu.memory_space<hbm>>
        tpu.wait_dma2 semaphore(%dma_wait3A_633 : memref<!tpu.dma_semaphore, #tpu.memory_space<semaphore_mem>>) src(%dma_wait3A_639 : memref<128xi32, #tpu.memory_space<hbm>>) dst(%dma_wait3A_636 : memref<128xi32, #tpu.memory_space<vmem>>)
        %dma_start3A_640 = arith.constant 2 : i32
        %dma_start3A_641 = arith.constant 2 : i32
        %dma_start3A_642 = arith.constant 2 : i32
        %dma_start3A_643 = arith.constant 0 : i32
        %dma_start3A_644 = arith.constant 0 : i32
        %dma_start3A_645 = tpu.memref_slice %arg6[%dma_start3A_641, %dma_start3A_643, %dma_start3A_644] : memref<5x128x128xf32, #tpu.memory_space<vmem>> -> memref<1x128x128xf32, #tpu.memory_space<vmem>>
        %dma_start3A_646 = tpu.memref_squeeze %dma_start3A_645 : memref<1x128x128xf32, #tpu.memory_space<vmem>> -> memref<128x128xf32, #tpu.memory_space<vmem>>
        %dma_start3A_647 = arith.constant 0 : i32
        %dma_start3A_648 = tpu.memref_slice %arg5[%dma_start3A_640, %dma_start3A_647] : memref<5x128xi32, #tpu.memory_space<vmem>> -> memref<1x128xi32, #tpu.memory_space<vmem>>
        %dma_start3A_649 = tpu.memref_squeeze %dma_start3A_648 : memref<1x128xi32, #tpu.memory_space<vmem>> -> memref<128xi32, #tpu.memory_space<vmem>>
        %dma_start3A_650 = arith.constant 0 : i32
        %dma_start3A_651 = arith.constant 0 : i32
        %dma_start3A_652 = tpu.memref_slice %arg7[%dma_start3A_650, %dma_start3A_651] : memref<4096x128xf32, #tpu.memory_space<vmem_shared>> -> memref<4096x128xf32, #tpu.memory_space<vmem_shared>>
        %dma_start3A_653 = tpu.memref_slice %arg9[%dma_start3A_642] : memref<5x!tpu.dma_semaphore, #tpu.memory_space<semaphore_mem>> -> memref<1x!tpu.dma_semaphore, #tpu.memory_space<semaphore_mem>>
        %dma_start3A_654 = tpu.memref_squeeze %dma_start3A_653 : memref<1x!tpu.dma_semaphore, #tpu.memory_space<semaphore_mem>> -> memref<!tpu.dma_semaphore, #tpu.memory_space<semaphore_mem>>
        tpu.enqueue_indirect_dma source(%dma_start3A_652 : memref<4096x128xf32, #tpu.memory_space<vmem_shared>>) target(%dma_start3A_646 : memref<128x128xf32, #tpu.memory_space<vmem>>) offsets(%dma_start3A_649 : memref<128xi32, #tpu.memory_space<vmem>>) semaphore(%dma_start3A_654 : memref<!tpu.dma_semaphore, #tpu.memory_space<semaphore_mem>>)
      } else {
      }
      %add3A_567 = arith.constant 3 : i32
      %add3A_568 = arith.addi %add3A_270, %add3A_567 : i32
      %mul3A_569 = arith.constant 128 : i32
      %mul3A_570 = arith.muli %add3A_568, %mul3A_569 : i32
      %add3A_571 = arith.addi %mul3A_2, %mul3A_570 : i32
      %dma_wait3A_572 = arith.constant 3 : i32
      %dma_wait3A_573 = arith.constant 3 : i32
      %dma_wait3A_574 = arith.constant 0 : i32
      %dma_wait3A_575 = arith.constant 0 : i32
      %dma_wait3A_576 = tpu.memref_slice %arg6[%dma_wait3A_572, %dma_wait3A_574, %dma_wait3A_575] : memref<5x128x128xf32, #tpu.memory_space<vmem>> -> memref<1x128x128xf32, #tpu.memory_space<vmem>>
      %dma_wait3A_577 = tpu.memref_squeeze %dma_wait3A_576 : memref<1x128x128xf32, #tpu.memory_space<vmem>> -> memref<128x128xf32, #tpu.memory_space<vmem>>
      %dma_wait3A_578 = arith.constant 0 : i32
      %dma_wait3A_579 = tpu.memref_slice %arg4[%add3A_571, %dma_wait3A_578] : memref<819200x128xf32, #tpu.memory_space<hbm>> -> memref<128x128xf32, #tpu.memory_space<hbm>>
      %dma_wait3A_580 = tpu.memref_slice %arg10[%dma_wait3A_573] : memref<5x!tpu.dma_semaphore, #tpu.memory_space<semaphore_mem>> -> memref<1x!tpu.dma_semaphore, #tpu.memory_space<semaphore_mem>>
      %dma_wait3A_581 = tpu.memref_squeeze %dma_wait3A_580 : memref<1x!tpu.dma_semaphore, #tpu.memory_space<semaphore_mem>> -> memref<!tpu.dma_semaphore, #tpu.memory_space<semaphore_mem>>
      %dma_wait3A_582 = arith.constant 0 : i32
      %dma_wait3A_583 = tpu.memref_slice %arg4[%add3A_571, %dma_wait3A_582] : memref<819200x128xf32, #tpu.memory_space<hbm>> -> memref<128x128xf32, #tpu.memory_space<hbm>>
      %dma_wait3A_584 = arith.constant 0 : i32
      %dma_wait3A_585 = arith.constant 0 : i32
      %dma_wait3A_586 = tpu.memref_slice %arg6[%dma_wait3A_572, %dma_wait3A_584, %dma_wait3A_585] : memref<5x128x128xf32, #tpu.memory_space<vmem>> -> memref<1x128x128xf32, #tpu.memory_space<vmem>>
      %dma_wait3A_587 = tpu.memref_squeeze %dma_wait3A_586 : memref<1x128x128xf32, #tpu.memory_space<vmem>> -> memref<128x128xf32, #tpu.memory_space<vmem>>
      tpu.wait_dma2 semaphore(%dma_wait3A_581 : memref<!tpu.dma_semaphore, #tpu.memory_space<semaphore_mem>>) src(%dma_wait3A_587 : memref<128x128xf32, #tpu.memory_space<vmem>>) dst(%dma_wait3A_583 : memref<128x128xf32, #tpu.memory_space<hbm>>)
      %add3A_588 = arith.constant 5 : i32
      %add3A_589 = arith.addi %add3A_568, %add3A_588 : i32
      %lt3A_590 = arith.constant 200 : i32
      %lt3A_591 = arith.cmpi slt, %add3A_589, %lt3A_590 : i32
      %convert_element_type3A_592 = arith.extui %lt3A_591 : i1 to i32
      %cond3A_593 = arith.constant 0 : i32
      %cond3A_594 = arith.cmpi ne, %convert_element_type3A_592, %cond3A_593 : i32
      scf.if %cond3A_594 {
        %add3A_623 = arith.addi %mul3A_4, %add3A_589 : i32
        %dma_wait3A_624 = arith.constant 3 : i32
        %dma_wait3A_625 = arith.constant 3 : i32
        %dma_wait3A_626 = arith.constant 0 : i32
        %dma_wait3A_627 = tpu.memref_slice %arg5[%dma_wait3A_624, %dma_wait3A_626] : memref<5x128xi32, #tpu.memory_space<vmem>> -> memref<1x128xi32, #tpu.memory_space<vmem>>
        %dma_wait3A_628 = tpu.memref_squeeze %dma_wait3A_627 : memref<1x128xi32, #tpu.memory_space<vmem>> -> memref<128xi32, #tpu.memory_space<vmem>>
        %dma_wait3A_629 = arith.constant 0 : i32
        %dma_wait3A_630 = tpu.memref_slice %arg2[%add3A_623, %dma_wait3A_629] : memref<6400x128xi32, #tpu.memory_space<hbm>> -> memref<1x128xi32, #tpu.memory_space<hbm>>
        %dma_wait3A_631 = tpu.memref_squeeze %dma_wait3A_630 : memref<1x128xi32, #tpu.memory_space<hbm>> -> memref<128xi32, #tpu.memory_space<hbm>>
        %dma_wait3A_632 = tpu.memref_slice %arg8[%dma_wait3A_625] : memref<5x!tpu.dma_semaphore, #tpu.memory_space<semaphore_mem>> -> memref<1x!tpu.dma_semaphore, #tpu.memory_space<semaphore_mem>>
        %dma_wait3A_633 = tpu.memref_squeeze %dma_wait3A_632 : memref<1x!tpu.dma_semaphore, #tpu.memory_space<semaphore_mem>> -> memref<!tpu.dma_semaphore, #tpu.memory_space<semaphore_mem>>
        %dma_wait3A_634 = arith.constant 0 : i32
        %dma_wait3A_635 = tpu.memref_slice %arg5[%dma_wait3A_624, %dma_wait3A_634] : memref<5x128xi32, #tpu.memory_space<vmem>> -> memref<1x128xi32, #tpu.memory_space<vmem>>
        %dma_wait3A_636 = tpu.memref_squeeze %dma_wait3A_635 : memref<1x128xi32, #tpu.memory_space<vmem>> -> memref<128xi32, #tpu.memory_space<vmem>>
        %dma_wait3A_637 = arith.constant 0 : i32
        %dma_wait3A_638 = tpu.memref_slice %arg2[%add3A_623, %dma_wait3A_637] : memref<6400x128xi32, #tpu.memory_space<hbm>> -> memref<1x128xi32, #tpu.memory_space<hbm>>
        %dma_wait3A_639 = tpu.memref_squeeze %dma_wait3A_638 : memref<1x128xi32, #tpu.memory_space<hbm>> -> memref<128xi32, #tpu.memory_space<hbm>>
        tpu.wait_dma2 semaphore(%dma_wait3A_633 : memref<!tpu.dma_semaphore, #tpu.memory_space<semaphore_mem>>) src(%dma_wait3A_639 : memref<128xi32, #tpu.memory_space<hbm>>) dst(%dma_wait3A_636 : memref<128xi32, #tpu.memory_space<vmem>>)
        %dma_start3A_640 = arith.constant 3 : i32
        %dma_start3A_641 = arith.constant 3 : i32
        %dma_start3A_642 = arith.constant 3 : i32
        %dma_start3A_643 = arith.constant 0 : i32
        %dma_start3A_644 = arith.constant 0 : i32
        %dma_start3A_645 = tpu.memref_slice %arg6[%dma_start3A_641, %dma_start3A_643, %dma_start3A_644] : memref<5x128x128xf32, #tpu.memory_space<vmem>> -> memref<1x128x128xf32, #tpu.memory_space<vmem>>
        %dma_start3A_646 = tpu.memref_squeeze %dma_start3A_645 : memref<1x128x128xf32, #tpu.memory_space<vmem>> -> memref<128x128xf32, #tpu.memory_space<vmem>>
        %dma_start3A_647 = arith.constant 0 : i32
        %dma_start3A_648 = tpu.memref_slice %arg5[%dma_start3A_640, %dma_start3A_647] : memref<5x128xi32, #tpu.memory_space<vmem>> -> memref<1x128xi32, #tpu.memory_space<vmem>>
        %dma_start3A_649 = tpu.memref_squeeze %dma_start3A_648 : memref<1x128xi32, #tpu.memory_space<vmem>> -> memref<128xi32, #tpu.memory_space<vmem>>
        %dma_start3A_650 = arith.constant 0 : i32
        %dma_start3A_651 = arith.constant 0 : i32
        %dma_start3A_652 = tpu.memref_slice %arg7[%dma_start3A_650, %dma_start3A_651] : memref<4096x128xf32, #tpu.memory_space<vmem_shared>> -> memref<4096x128xf32, #tpu.memory_space<vmem_shared>>
        %dma_start3A_653 = tpu.memref_slice %arg9[%dma_start3A_642] : memref<5x!tpu.dma_semaphore, #tpu.memory_space<semaphore_mem>> -> memref<1x!tpu.dma_semaphore, #tpu.memory_space<semaphore_mem>>
        %dma_start3A_654 = tpu.memref_squeeze %dma_start3A_653 : memref<1x!tpu.dma_semaphore, #tpu.memory_space<semaphore_mem>> -> memref<!tpu.dma_semaphore, #tpu.memory_space<semaphore_mem>>
        tpu.enqueue_indirect_dma source(%dma_start3A_652 : memref<4096x128xf32, #tpu.memory_space<vmem_shared>>) target(%dma_start3A_646 : memref<128x128xf32, #tpu.memory_space<vmem>>) offsets(%dma_start3A_649 : memref<128xi32, #tpu.memory_space<vmem>>) semaphore(%dma_start3A_654 : memref<!tpu.dma_semaphore, #tpu.memory_space<semaphore_mem>>)
      } else {
      }
      %add3A_595 = arith.constant 4 : i32
      %add3A_596 = arith.addi %add3A_270, %add3A_595 : i32
      %mul3A_597 = arith.constant 128 : i32
      %mul3A_598 = arith.muli %add3A_596, %mul3A_597 : i32
      %add3A_599 = arith.addi %mul3A_2, %mul3A_598 : i32
      %dma_wait3A_600 = arith.constant 4 : i32
      %dma_wait3A_601 = arith.constant 4 : i32
      %dma_wait3A_602 = arith.constant 0 : i32
      %dma_wait3A_603 = arith.constant 0 : i32
      %dma_wait3A_604 = tpu.memref_slice %arg6[%dma_wait3A_600, %dma_wait3A_602, %dma_wait3A_603] : memref<5x128x128xf32, #tpu.memory_space<vmem>> -> memref<1x128x128xf32, #tpu.memory_space<vmem>>
      %dma_wait3A_605 = tpu.memref_squeeze %dma_wait3A_604 : memref<1x128x128xf32, #tpu.memory_space<vmem>> -> memref<128x128xf32, #tpu.memory_space<vmem>>
      %dma_wait3A_606 = arith.constant 0 : i32
      %dma_wait3A_607 = tpu.memref_slice %arg4[%add3A_599, %dma_wait3A_606] : memref<819200x128xf32, #tpu.memory_space<hbm>> -> memref<128x128xf32, #tpu.memory_space<hbm>>
      %dma_wait3A_608 = tpu.memref_slice %arg10[%dma_wait3A_601] : memref<5x!tpu.dma_semaphore, #tpu.memory_space<semaphore_mem>> -> memref<1x!tpu.dma_semaphore, #tpu.memory_space<semaphore_mem>>
      %dma_wait3A_609 = tpu.memref_squeeze %dma_wait3A_608 : memref<1x!tpu.dma_semaphore, #tpu.memory_space<semaphore_mem>> -> memref<!tpu.dma_semaphore, #tpu.memory_space<semaphore_mem>>
      %dma_wait3A_610 = arith.constant 0 : i32
      %dma_wait3A_611 = tpu.memref_slice %arg4[%add3A_599, %dma_wait3A_610] : memref<819200x128xf32, #tpu.memory_space<hbm>> -> memref<128x128xf32, #tpu.memory_space<hbm>>
      %dma_wait3A_612 = arith.constant 0 : i32
      %dma_wait3A_613 = arith.constant 0 : i32
      %dma_wait3A_614 = tpu.memref_slice %arg6[%dma_wait3A_600, %dma_wait3A_612, %dma_wait3A_613] : memref<5x128x128xf32, #tpu.memory_space<vmem>> -> memref<1x128x128xf32, #tpu.memory_space<vmem>>
      %dma_wait3A_615 = tpu.memref_squeeze %dma_wait3A_614 : memref<1x128x128xf32, #tpu.memory_space<vmem>> -> memref<128x128xf32, #tpu.memory_space<vmem>>
      tpu.wait_dma2 semaphore(%dma_wait3A_609 : memref<!tpu.dma_semaphore, #tpu.memory_space<semaphore_mem>>) src(%dma_wait3A_615 : memref<128x128xf32, #tpu.memory_space<vmem>>) dst(%dma_wait3A_611 : memref<128x128xf32, #tpu.memory_space<hbm>>)
      %add3A_616 = arith.constant 5 : i32
      %add3A_617 = arith.addi %add3A_596, %add3A_616 : i32
      %lt3A_618 = arith.constant 200 : i32
      %lt3A_619 = arith.cmpi slt, %add3A_617, %lt3A_618 : i32
      %convert_element_type3A_620 = arith.extui %lt3A_619 : i1 to i32
      %cond3A_621 = arith.constant 0 : i32
      %cond3A_622 = arith.cmpi ne, %convert_element_type3A_620, %cond3A_621 : i32
      scf.if %cond3A_622 {
        %add3A_623 = arith.addi %mul3A_4, %add3A_617 : i32
        %dma_wait3A_624 = arith.constant 4 : i32
        %dma_wait3A_625 = arith.constant 4 : i32
        %dma_wait3A_626 = arith.constant 0 : i32
        %dma_wait3A_627 = tpu.memref_slice %arg5[%dma_wait3A_624, %dma_wait3A_626] : memref<5x128xi32, #tpu.memory_space<vmem>> -> memref<1x128xi32, #tpu.memory_space<vmem>>
        %dma_wait3A_628 = tpu.memref_squeeze %dma_wait3A_627 : memref<1x128xi32, #tpu.memory_space<vmem>> -> memref<128xi32, #tpu.memory_space<vmem>>
        %dma_wait3A_629 = arith.constant 0 : i32
        %dma_wait3A_630 = tpu.memref_slice %arg2[%add3A_623, %dma_wait3A_629] : memref<6400x128xi32, #tpu.memory_space<hbm>> -> memref<1x128xi32, #tpu.memory_space<hbm>>
        %dma_wait3A_631 = tpu.memref_squeeze %dma_wait3A_630 : memref<1x128xi32, #tpu.memory_space<hbm>> -> memref<128xi32, #tpu.memory_space<hbm>>
        %dma_wait3A_632 = tpu.memref_slice %arg8[%dma_wait3A_625] : memref<5x!tpu.dma_semaphore, #tpu.memory_space<semaphore_mem>> -> memref<1x!tpu.dma_semaphore, #tpu.memory_space<semaphore_mem>>
        %dma_wait3A_633 = tpu.memref_squeeze %dma_wait3A_632 : memref<1x!tpu.dma_semaphore, #tpu.memory_space<semaphore_mem>> -> memref<!tpu.dma_semaphore, #tpu.memory_space<semaphore_mem>>
        %dma_wait3A_634 = arith.constant 0 : i32
        %dma_wait3A_635 = tpu.memref_slice %arg5[%dma_wait3A_624, %dma_wait3A_634] : memref<5x128xi32, #tpu.memory_space<vmem>> -> memref<1x128xi32, #tpu.memory_space<vmem>>
        %dma_wait3A_636 = tpu.memref_squeeze %dma_wait3A_635 : memref<1x128xi32, #tpu.memory_space<vmem>> -> memref<128xi32, #tpu.memory_space<vmem>>
        %dma_wait3A_637 = arith.constant 0 : i32
        %dma_wait3A_638 = tpu.memref_slice %arg2[%add3A_623, %dma_wait3A_637] : memref<6400x128xi32, #tpu.memory_space<hbm>> -> memref<1x128xi32, #tpu.memory_space<hbm>>
        %dma_wait3A_639 = tpu.memref_squeeze %dma_wait3A_638 : memref<1x128xi32, #tpu.memory_space<hbm>> -> memref<128xi32, #tpu.memory_space<hbm>>
        tpu.wait_dma2 semaphore(%dma_wait3A_633 : memref<!tpu.dma_semaphore, #tpu.memory_space<semaphore_mem>>) src(%dma_wait3A_639 : memref<128xi32, #tpu.memory_space<hbm>>) dst(%dma_wait3A_636 : memref<128xi32, #tpu.memory_space<vmem>>)
        %dma_start3A_640 = arith.constant 4 : i32
        %dma_start3A_641 = arith.constant 4 : i32
        %dma_start3A_642 = arith.constant 4 : i32
        %dma_start3A_643 = arith.constant 0 : i32
        %dma_start3A_644 = arith.constant 0 : i32
        %dma_start3A_645 = tpu.memref_slice %arg6[%dma_start3A_641, %dma_start3A_643, %dma_start3A_644] : memref<5x128x128xf32, #tpu.memory_space<vmem>> -> memref<1x128x128xf32, #tpu.memory_space<vmem>>
        %dma_start3A_646 = tpu.memref_squeeze %dma_start3A_645 : memref<1x128x128xf32, #tpu.memory_space<vmem>> -> memref<128x128xf32, #tpu.memory_space<vmem>>
        %dma_start3A_647 = arith.constant 0 : i32
        %dma_start3A_648 = tpu.memref_slice %arg5[%dma_start3A_640, %dma_start3A_647] : memref<5x128xi32, #tpu.memory_space<vmem>> -> memref<1x128xi32, #tpu.memory_space<vmem>>
        %dma_start3A_649 = tpu.memref_squeeze %dma_start3A_648 : memref<1x128xi32, #tpu.memory_space<vmem>> -> memref<128xi32, #tpu.memory_space<vmem>>
        %dma_start3A_650 = arith.constant 0 : i32
        %dma_start3A_651 = arith.constant 0 : i32
        %dma_start3A_652 = tpu.memref_slice %arg7[%dma_start3A_650, %dma_start3A_651] : memref<4096x128xf32, #tpu.memory_space<vmem_shared>> -> memref<4096x128xf32, #tpu.memory_space<vmem_shared>>
        %dma_start3A_653 = tpu.memref_slice %arg9[%dma_start3A_642] : memref<5x!tpu.dma_semaphore, #tpu.memory_space<semaphore_mem>> -> memref<1x!tpu.dma_semaphore, #tpu.memory_space<semaphore_mem>>
        %dma_start3A_654 = tpu.memref_squeeze %dma_start3A_653 : memref<1x!tpu.dma_semaphore, #tpu.memory_space<semaphore_mem>> -> memref<!tpu.dma_semaphore, #tpu.memory_space<semaphore_mem>>
        tpu.enqueue_indirect_dma source(%dma_start3A_652 : memref<4096x128xf32, #tpu.memory_space<vmem_shared>>) target(%dma_start3A_646 : memref<128x128xf32, #tpu.memory_space<vmem>>) offsets(%dma_start3A_649 : memref<128xi32, #tpu.memory_space<vmem>>) semaphore(%dma_start3A_654 : memref<!tpu.dma_semaphore, #tpu.memory_space<semaphore_mem>>)
      } else {
      }
    }
    %scan3A_265 = arith.constant 40 : i32
    return
  }
}

</mosaic_0001>

<sc_bundles>
// kernel: kernel.3.cloned.1.call-start
scs
__scs_entry_jumppad:
0x0: {  	(pc) =	sbr.rel $0x88, $3  }
0x1: {  	(tag) =	ssettag $0x0;
	lr =	simm.s32 $0x1  }
0x2: {  	[smem:$0x3F9F] =	sst lr;
	_ =	strace $0xD0000000  }
0x3: {  	_ = 	snop  }
0x4: {  	_ = 	snop  }
0x5: {  	_ = 	snop  }
0x6: {  	_ = 	snop  }
0x7: {  	_ = 	snop  }
__scs_overlays_trampoline_lowered:
0x8: {  	[smem:$0x3FAE] =	sst s0  }
0x9: {  	[smem:$0x3FAF] =	sst s1  }
0xa: {  	[smem:$0x3FB0] =	sst s2  }
0xb: {  	[smem:$0x3FB1] =	sst s3  }
0xc: {  	[smem:$0x3FB2] =	sst s4  }
0xd: {  	[smem:$0x3FB3] =	sst s5  }
0xe: {  	[smem:$0x3FB4] =	sst s6  }
0xf: {  	[smem:$0x3FB5] =	sst s7  }
0x10: {  	[smem:$0x3FB6] =	sst s8  }
0x11: {  	[smem:$0x3FB7] =	sst s9;
	s0 =	simm.s32 @!p0 $0x0  }
0x12: {  	s1 =	sld [smem:$0x3F9D];
	s0 =	simm.s32 @p0 $0x1  }
0x13: {  	[smem:$0x3FB8] =	sst s0;
	s0 =	simm.s32 @!p1 $0x0  }
0x14: {  	s2 =	sld [smem:$0x3F9C];
	s0 =	simm.s32 @p1 $0x1  }
0x15: {  	[smem:$0x3FB9] =	sst s0;
	s0 =	simm.s32 @!p2 $0x0  }
0x16: {  	s3 =	sld [smem:$0x3FDB];
	s0 =	simm.s32 @p2 $0x1  }
0x17: {  	s4 =	simm.s32 $0x1BF5;
	[smem:$0x3FBB] =	sst s0  }
0x18: {  	s0 =	sld [smem:$0x3F9E];
	_ =	swait.ge [sflag:s4], $0x0  }
0x19: {  	s7 =	sld [smem:$0x3F9F]  }
0x1a: {  	s8 =	sadd.s32 $0xFFFFE003, lr  }
0x1b: {  	s9 =	sadd.s32 $0xFFFFFEF7, lr;
	s5 =	simm.s32 $0xFFFFFFFF;
	p2 =	slt.u32 s8, $0xFFFFF086  }
0x1c: {  	p1 =	slt.u32 s9, $0xF7A;
	s5 =	simm.s32 @!p2 $0x0  }
0x1d: {  	s5 =	simm.s32 @p1 $0x1;
	p0 =	seq.s32 s7, s2  }
0x1e: {  	s7 =	smul.u32 @!p0 $0xF7A, s2;
	p2 =	seq.s32 @!p0 s5, $0x0  }
0x1f: {  	s9 =	smul.u32 $0xF7A, s1;
	s8 =	simm.s32 @!p0 $0x1BF5;
	p2 =	por !p2, p0  }
0x20: {  	[sflag:s8] =	ssyncset.s32 @!p0 $0xFFFFF086;
	s6 =	sadd.s32 @!p0 s3, s7;
	s7 =	simm.s32 @!p0 $0x108  }
0x21: {  	s3 =	sadd.s32 s3, s9;
	s6 =	sadd.s32 @!p0 $0x88, s6;
	s7 =	simm.s32 @p2 $0x1082  }
0x22: {  	[simem:s7], [sflag:s8] =	dma.local @!p0 [hbm:s6], $0xF7A  }
0x23: {  	s9 =	sor.u32 $0xD0000000, s2;
	s6 =	simm.s32 $0x108;
	_ =	swait.ge @!p0 [sflag:s8], $0x0  }
0x24: {  	s3 =	sadd.s32 $0x88, s3;
	s6 =	simm.s32 @!p1 $0x1082;
	[sflag:s4] =	ssyncset.s32 $0xFFFFF086  }
0x25: {  	[simem:s6], [sflag:s4] =	dma.local [hbm:s3], $0xF7A  }
0x26: {  	[smem:$0x3F9F] =	sst s1;
	(tag) =	ssettag s2;
	_ =	strace s9  }
0x27: {  	s1 =	sld [smem:$0x3FAF]  }
0x28: {  	s2 =	sld [smem:$0x3FB0]  }
0x29: {  	s4 =	sld [smem:$0x3FB2]  }
0x2a: {  	p0 =	seq.s32 s5, $0x0;
	s5 =	sld [smem:$0x3FB3]  }
0x2b: {  	s6 =	sld [smem:$0x3FB4]  }
0x2c: {  	s7 =	sld [smem:$0x3FB5]  }
0x2d: {  	s3 =	simm.s32 $0x108;
	s8 =	sld [smem:$0x3FB6]  }
0x2e: {  	s3 =	simm.s32 @!p0 $0x1082;
	s9 =	sld [smem:$0x3FB7]  }
0x2f: {  	lr =	sadd.s32 s0, s3;
	s0 =	sld [smem:$0x3FAE]  }
0x30: {  	s3 =	sld [smem:$0x3FB1]  }
0x31: {  	[smem:$0x3FBA] =	sst s10  }
0x32: {  	s10 =	sld [smem:$0x3FB8];
	_ =	sdelay $0x3  }
0x33: {  	p0 =	seq.s32 s10, $0x1;
	s10 =	sld [smem:$0x3FBA];
	_ =	sdelay $0x3  }
0x34: {  	[smem:$0x3FBA] =	sst s10  }
0x35: {  	s10 =	sld [smem:$0x3FB9];
	_ =	sdelay $0x3  }
0x36: {  	p1 =	seq.s32 s10, $0x1;
	s10 =	sld [smem:$0x3FBA];
	_ =	sdelay $0x3  }
0x37: {  	[smem:$0x3FBA] =	sst s10  }
0x38: {  	s10 =	sld [smem:$0x3FBB]  }
0x39: {  	_ = 	snop;
	(pc) =	sbr.ind lr, $3  }
0x3a: {  	_ = 	snop  }
0x3b: {  	_ = 	snop  }
0x3c: {  	p2 =	seq.s32 s10, $0x1;
	s10 =	sld [smem:$0x3FBA]  }
0x3d: {  	_ =	shalt  }
0x3e: {  	_ =	shalt  }
0x3f: {  	_ =	shalt  }
0x40: {  	_ =	shalt  }
0x41: {  	_ =	shalt  }
0x42: {  	_ =	shalt  }
0x43: {  	_ =	shalt  }
0x44: {  	_ =	shalt  }
0x45: {  	_ =	shalt  }
0x46: {  	_ =	shalt  }
0x47: {  	_ =	shalt  }
0x48: {  	_ =	shalt  }
0x49: {  	_ =	shalt  }
0x4a: {  	_ =	shalt  }
0x4b: {  	_ =	shalt  }
0x4c: {  	_ =	shalt  }
0x4d: {  	_ =	shalt  }
0x4e: {  	_ =	shalt  }
0x4f: {  	_ =	shalt  }
0x50: {  	_ =	shalt  }
0x51: {  	_ =	shalt  }
0x52: {  	_ =	shalt  }
0x53: {  	_ =	shalt  }
0x54: {  	_ =	shalt  }
0x55: {  	_ =	shalt  }
0x56: {  	_ =	shalt  }
0x57: {  	_ =	shalt  }
0x58: {  	_ =	shalt  }
0x59: {  	_ =	shalt  }
0x5a: {  	_ =	shalt  }
0x5b: {  	_ =	shalt  }
0x5c: {  	_ =	shalt  }
0x5d: {  	_ =	shalt  }
0x5e: {  	_ =	shalt  }
0x5f: {  	_ =	shalt  }
0x60: {  	_ =	shalt  }
0x61: {  	_ =	shalt  }
0x62: {  	_ =	shalt  }
0x63: {  	_ =	shalt  }
0x64: {  	_ =	shalt  }
0x65: {  	_ =	shalt  }
0x66: {  	_ =	shalt  }
0x67: {  	_ =	shalt  }
0x68: {  	_ =	shalt  }
0x69: {  	_ =	shalt  }
0x6a: {  	_ =	shalt  }
0x6b: {  	_ =	shalt  }
0x6c: {  	_ =	shalt  }
0x6d: {  	_ =	shalt  }
0x6e: {  	_ =	shalt  }
0x6f: {  	_ =	shalt  }
0x70: {  	_ =	shalt  }
0x71: {  	_ =	shalt  }
0x72: {  	_ =	shalt  }
0x73: {  	_ =	shalt  }
0x74: {  	_ =	shalt  }
0x75: {  	_ =	shalt  }
0x76: {  	_ =	shalt  }
0x77: {  	_ =	shalt  }
0x78: {  	_ =	shalt  }
0x79: {  	_ =	shalt  }
0x7a: {  	_ =	shalt  }
0x7b: {  	_ =	shalt  }
0x7c: {  	_ =	shalt  }
0x7d: {  	_ =	shalt  }
0x7e: {  	_ =	shalt  }
0x7f: {  	_ =	shalt  }
0x80: {  	_ =	shalt  }
0x81: {  	_ =	shalt  }
0x82: {  	_ =	shalt  }
0x83: {  	_ =	shalt  }
0x84: {  	_ =	shalt  }
0x85: {  	_ =	shalt  }
0x86: {  	_ =	shalt  }
0x87: {  	_ =	shalt  }
.Lfunc_end0:
.L_simem_size_0:
called_computation_lowered:
.L_overlay_start_0:
0x88: {  	s2 =	sld [smem:$0x3FD9]  }
0x89: {  	s3 =	sld [smem:$0x3FFE];
	_ =	sdelay $0x1  }
0x8a: {  	s1 =	srdreg.scid  }
0x8b: {  	s0 =	sand.u32 $0x1, s1  }
0x8c: {  	s17 =	sshll.u32 s0, $0xA;
	s2 =	sadd.s32 s3, s2  }
0x8d: {  	s2 =	sadd.s32 s2, s17  }
0x8e: {  	[smem:$0x3FC6] =	sst s2  }
0x8f: {  	_ = 	snop  }
0x90: {  	s2 =	sld [smem:$0x3FC8]  }
0x91: {  	s18 =	sld [smem:$0x3FD0];
	(tm) =	ssettm $0x1  }
0x92: {  	s4 =	sld [smem:$0x3FFB];
	_ =	sdelay $0x3  }
0x93: {  	_ =	strace s4  }
0x94: {  	s4 =	sld [smem:$0x3FFC];
	_ =	sdelay $0x3  }
0x95: {  	_ =	strace s4  }
0x96: {  	s4 =	sld [smem:$0x3FFD];
	_ =	sdelay $0x3  }
0x97: {  	_ =	strace s4  }
0x98: {  	_ =	strace $0x8FFFFFFF  }
0x99: {  	s19 =	sld [smem:$0x3FDB];
	_ =	sdelay $0x1  }
0x9a: {  	s5 =	simm.s32 $_scs_section_size  }
0x9b: {  	s6 =	simm.s32 $_size__tile_overlayer_lowered;
	s7 =	simm.s32 $_tile_overlayer_lowered  }
0x9c: {  	s22 =	simm.s32 $0x1BFF;
	s21 =	sshll.u32 s7, $0x1;
	s4 =	sadd.s32 s5, s19  }
0x9d: {  	s8 =	simm.s32 $0x0;
	s20 =	sshll.u32 s6, $0x1;
	s6 =	sadd.s32 s21, s4  }
0x9e: {  	[timem:s8], [sflag:s22] =	dma.local [hbm:s6], s20  }
0x9f: {  	_ =	swait.ge [sflag:s22], s20  }
0xa0: {  	s5 =	ssub.s32 $0x0, s20;
	[sflag:s22] =	ssyncset.done $0x0  }
0xa1: {  	[sflag:s22] =	ssyncadd.s32 s5;
	_ =	sdelay $0x1  }
0xa2: {  	s23 =	simm.s32 $0x1B8B  }
0xa3: {  	_ =	swait.ge [sflag:s23], $0x1  }
0xa4: {  	[sflag:s23] =	ssyncset.done $0x0  }
0xa5: {  	s25 =	simm.s32 $0x1B8E;
	s24 =	sld [smem:$0x3FFE];
	[sflag:s23] =	ssyncadd.s32 $0xFFFFFFFF  }
0xa6: {  	s26 =	simm.s32 $execute0_lowered;
	[smem:$0x3FD2] =	sst s25  }
0xa7: {  	s6 =	sshll.u32 s26, $0x1;
	_ =	strace $0x80000046;
	[dreg:$0x1] =	wrdreg $0xFFFFFFFF  }
0xa8: {  	s28 =	simm.s32 $_size_execute0_lowered;
	s4 =	sadd.s32 s4, s6;
	[dreg:$0x0] =	wrdreg $0x0  }
0xa9: {  	s6 =	sshll.u32 s28, $0x1;
	[dreg:$0x2] =	wrdreg s4  }
0xaa: {  	[dreg:$0x3] =	wrdreg s6  }
0xab: {  	[dreg:$0x4] =	wrdreg $0xC0  }
0xac: {  	_ =	task [dreg:s8], $0x5FFFF  }
0xad: {  	[dreg:$0x1] =	wrdreg $0xFFFFFFFF  }
0xae: {  	[dreg:$0x0] =	wrdreg $0x60  }
0xaf: {  	[dreg:$0x2] =	wrdreg s24  }
0xb0: {  	[dreg:$0x3] =	wrdreg s2  }
0xb1: {  	[dreg:$0x4] =	wrdreg s18  }
0xb2: {  	[dreg:$0x5] =	wrdreg $0x144000  }
0xb3: {  	[dreg:$0x6] =	wrdreg $0x9  }
0xb4: {  	_ =	task.clear_ibuf [dreg:s8], $0x7FFFF;
	_ =	strace $0x90000046  }
0xb5: {  	s29 =	simm.s32 $0x9;
	_ =	strace $0x80000048  }
0xb6: {  	_ =	swait.ge [sflag:s29], $0x1  }
0xb7: {  	[sflag:s29] =	ssyncadd.s32 $0xFFFFFFFF  }
0xb8: {  	_ =	strace $0x90000048  }
0xb9: {  	_ =	sfence  }
0xba: {  	s30 =	sld [smem:$0x0];
	_ =	sdelay $0x2  }
0xbb: {  	s31 =	sshll.u32 s1, $0xD;
	s1 =	sshrl.u32 s1, $0x2  }
0xbc: {  	s3 =	sand.u32 $0x4000, s31;
	s1 =	sadd.s32 s1, s30  }
0xbd: {  	s0 =	sor.u32 s3, s0;
	s1 =	sshll.u32 s1, $0x11  }
0xbe: {  	s0 =	sor.u32 s1, s0  }
0xbf: {  	s0 =	sadd.s32 $0x8F2B, s0  }
0xc0: {  	[sflag:s0] =	ssyncadd.remote.s32 $0x1  }
0xc1: {  	_ =	sfence.sel $0xFFFF  }
0xc2: {  	[dreg:$0x0] =	wrdreg $0xFFFFFFFF;
	(pc) =	sbr.abs _section_cstart, $3  }
0xc3: {  	[dreg:$0x1] =	wrdreg $0xFFFFFFFF  }
0xc4: {  	_ =	task.clear_ibuf [dreg:s8], $0x2FFFF;
	_ =	strace $0x9FFFFFFF  }
0xc5: {  	(tm) =	ssettm $0x7FFFFFFF  }
tec
execute0_lowered:
.L_overlay_start_1:
0x0: {  	(tag) =	ssettag $0x1  }
0x1: {  	s0 =	rddreg [dreg:$0x0]  }
0x2: {  	s2 =	rddreg [dreg:$0x1]  }
0x3: {  	s5 =	rddreg [dreg:$0x2]  }
0x4: {  	s1 =	rddreg [dreg:$0x3];
	s4 =	srdreg.scid  }
0x5: {  	s3 =	simm.s32 $0x0;
	s11 =	stileid.u32;
	s29 =	simm.s32 $0x3  }
0x6: {  	s30 =	simm.s32 $0x8400;
	s31 =	simm.s32 $0x4;
	s6 =	sand.u32 $0x1, s4  }
0x7: {  	[smem:$0x7FF] =	sst s3;
	s9 =	sshll.u32 s11, $0x1;
	s18 =	smul.u32 $0xC8000, s11  }
0x8: {  	s4 =	sadd.s32 $0x400, s0;
	s14 =	sshll.u32 s11, $0xF;
	s22 =	smul.u32 $0xC800, s11  }
0x9: {  	s15 =	sshll.u32 s11, $0xC;
	s17 =	sshll.u32 s11, $0x6;
	s24 =	smul.u32 $0x1900, s11  }
0xa: {  	s11 =	simm.s32 $0xC;
	s7 =	ssub.s32 $0x2, s6;
	s20 =	smul.u32 $0x64000, s6  }
0xb: {  	_ =	strace $0x80000047;
	s13 =	sor.u32 s6, s9;
	s23 =	smul.u32 $0x6400, s6  }
0xc: {  	s2 =	sadd.s32 s2, s15;
	s6 =	smul.u32 $0xC80, s6;
	s9 =	simm.s32 $0x9  }
0xd: {  	s15 =	simm.s32 $0xE;
	s8 =	sshrl.u32 s7, $0x1;
	s10 =	smul.u32 $0xC80, s13  }
0xe: {  	[dreg:$0x5] =	wrdreg s2;
	s16 =	smul.u32 $0x64000, s13;
	s28 =	ssub.s32 s7, s8  }
0xf: {  	s8 =	sadd.s32 s14, s1;
	s7 =	sor.u32 $0x1C10, s17;
	s17 =	sadd.s32 s6, s24  }
0x10: {  	s24 =	simm.s32 $0x1;
	s12 =	sadd.s32 s4, s10;
	[dreg:$0x7] =	wrdreg s7  }
0x11: {  	s6 =	simm.s32 $0x0;
	s0 =	smax.u32 s28, $0x1;
	[dreg:$0x6] =	wrdreg s12  }
0x12: {  	s2 =	sadd.s32 s5, s16;
	s28 =	sshrl.u32 s8, $0x3;
	[dreg:$0xc] =	wrdreg s0  }
0x13: {  	s5 =	sadd.s32 s18, s5;
	s19 =	sadd.s32 $0x10, s12;
	[dreg:$0x10] =	wrdreg s28  }
0x14: {  	s7 =	simm.s32 $0x6;
	s10 =	sadd.s32 $0x20, s12;
	[dreg:$0x8] =	wrdreg s19  }
0x15: {  	s8 =	simm.s32 $0x7;
	s21 =	sadd.s32 $0x30, s12;
	[dreg:$0x9] =	wrdreg s10  }
0x16: {  	s18 =	simm.s32 $0xF;
	s12 =	sadd.s32 $0x40, s12;
	[dreg:$0xa] =	wrdreg s21  }
0x17: {  	s25 =	sadd.s32 $0x62000, s2;
	s5 =	sadd.s32 s20, s5;
	[dreg:$0xb] =	wrdreg s12  }
.Ltmp0:
0x18: {  	s2 =	sadd.s32 $0x63000, s2;
	[dreg:$0xd] =	wrdreg s25;
	(pc) =	sbr.rel .LBB2_1-.Ltmp0, $4  }
0x19: {  	s0 =	sadd.s32 s23, s22;
	s20 =	simm.s32 $0x80;
	[dreg:$0xe] =	wrdreg s2  }
0x1a: {  	s26 =	sadd.s32 $0x2000, s5;
	s16 =	sadd.s32 $0x400, s0;
	s25 =	simm.s32 $0x400  }
0x1b: {  	s2 =	simm.s32 $0x5;
	s5 =	simm.s32 $0x10400;
	s10 =	simm.s32 $0xB  }
0x1c: {  	s12 =	simm.s32 $0xD;
	[dreg:$0xf] =	wrdreg s26;
	s26 =	simm.s32 $0x2  }
.LBB2_4:
0x1d: {  	_ =	swait.ge [sflag:s11], $0x4000  }
0x1e: {  	[sflag:s11] =	ssyncset.done $0x0  }
0x1f: {  	[sflag:s11] =	ssyncadd.s32 $0xFFFFC000  }
0x20: {  	_ =	swait.ge [sflag:s12], $0x4000  }
0x21: {  	[sflag:s12] =	ssyncset.done $0x0  }
0x22: {  	[sflag:s12] =	ssyncadd.s32 $0xFFFFC000  }
0x23: {  	_ =	swait.ge [sflag:s15], $0x4000  }
0x24: {  	[sflag:s15] =	ssyncset.done $0x0  }
0x25: {  	[sflag:s15] =	ssyncadd.s32 $0xFFFFC000  }
0x26: {  	_ =	swait.ge [sflag:s18], $0x4000  }
0x27: {  	s6 =	rddreg [dreg:$0x11]  }
0x28: {  	s0 =	rddreg [dreg:$0xc];
	s6 =	sadd.s32 $0x1, s6  }
0x29: {  	p0 =	sne.s32 s6, s0  }
.Ltmp1:
0x2a: {  	_ = 	snop;
	(pc) =	sbr.rel @!p0 .LBB2_5-.Ltmp1, $3  }
0x2b: {  	_ =	sdelay $0x1  }
0x2c: {  	[sflag:s18] =	ssyncset.done $0x0  }
0x2d: {  	[sflag:s18] =	ssyncadd.s32 $0xFFFFC000  }
.LBB2_1:
0x2e: {  	[dreg:$0x11] =	wrdreg s6  }
0x2f: {  	s0 =	rddreg [dreg:$0x5]  }
0x30: {  	s19 =	rddreg [dreg:$0x7]  }
0x31: {  	s13 =	rddreg [dreg:$0x10];
	s21 =	simm.s32 $0x10  }
0x32: {  	[spmem:s13], [sflag:s19] =	dma.local [hbm:s0], $0x1000  }
0x33: {  	_ =	swait.ge [sflag:s21], $0x1000  }
0x34: {  	[sflag:s21] =	ssyncset.done $0x0  }
0x35: {  	[sflag:s21] =	ssyncadd.s32 $0xFFFFF000  }
0x36: {  	[bflag:$0x0] =	sbarrier.arrive $0xFFFF  }
0x37: {  	s22 =	rddreg [dreg:$0x6]  }
0x38: {  	[tilespmem:s3], [sflag:$0x1] =	stream.linear.gather [hbm4b:s22+s3], $0x80, $0x38;
	[tilespmem:$0x1C400] =	vst v63  }
0x39: {  	s23 =	rddreg [dreg:$0x8]  }
0x3a: {  	[tilespmem:s20], [sflag:$0x2] =	stream.linear.gather [hbm4b:s23+s3], $0x80, $0x38;
	[tilespmem:$0x1C400] =	vst v63  }
0x3b: {  	s13 =	simm.s32 $0x100;
	s6 =	rddreg [dreg:$0x9]  }
0x3c: {  	[tilespmem:s13], [sflag:$0x3] =	stream.linear.gather [hbm4b:s6+s3], $0x80, $0x38;
	[tilespmem:$0x1C400] =	vst v63  }
0x3d: {  	s19 =	simm.s32 $0x180;
	s14 =	rddreg [dreg:$0xa]  }
0x3e: {  	[tilespmem:s19], [sflag:$0x4] =	stream.linear.gather [hbm4b:s14+s3], $0x80, $0x38;
	[tilespmem:$0x1C400] =	vst v63  }
0x3f: {  	s21 =	rddreg [dreg:$0xb];
	s14 =	simm.s32 $0x200  }
0x40: {  	[tilespmem:s14], [sflag:$0x5] =	stream.linear.gather [hbm4b:s21+s3], $0x80, $0x38;
	[tilespmem:$0x1C400] =	vst v63  }
0x41: {  	_ =	swait.ge [sflag:s24], $0x80  }
0x42: {  	[sflag:s24] =	ssyncset.done $0x0  }
0x43: {  	[sflag:s24] =	ssyncadd.s32 $0xFFFFFF80  }
0x44: {  	[tilespmem:s25], [sflag:$0x6] =	stream.indirect.gather [spmem:s1], $0x80, s3, s20, $0xb8;
	[tilespmem:$0x1C400] =	vst v63  }
0x45: {  	_ =	swait.ge [sflag:s26], $0x80  }
0x46: {  	[sflag:s26] =	ssyncset.done $0x0  }
0x47: {  	s22 =	simm.s32 $0x4400;
	[sflag:s26] =	ssyncadd.s32 $0xFFFFFF80  }
0x48: {  	[tilespmem:s22], [sflag:$0x7] =	stream.indirect.gather [spmem:s1], $0x80, s20, s20, $0xb8;
	[tilespmem:$0x1C400] =	vst v63  }
0x49: {  	_ =	swait.ge [sflag:s29], $0x80  }
0x4a: {  	[sflag:s29] =	ssyncset.done $0x0  }
0x4b: {  	[sflag:s29] =	ssyncadd.s32 $0xFFFFFF80  }
0x4c: {  	[tilespmem:s30], [sflag:$0x8] =	stream.indirect.gather [spmem:s1], $0x80, s13, s20, $0xb8;
	[tilespmem:$0x1C400] =	vst v63  }
0x4d: {  	_ =	swait.ge [sflag:s31], $0x80  }
0x4e: {  	[sflag:s31] =	ssyncset.done $0x0  }
0x4f: {  	s23 =	simm.s32 $0xC400;
	[sflag:s31] =	ssyncadd.s32 $0xFFFFFF80  }
0x50: {  	[tilespmem:s23], [sflag:$0x9] =	stream.indirect.gather [spmem:s1], $0x80, s19, s20, $0xb8;
	[tilespmem:$0x1C400] =	vst v63  }
0x51: {  	_ =	swait.ge [sflag:s2], $0x80  }
0x52: {  	s6 =	simm.s32 $0x0;
	[sflag:s2] =	ssyncset.done $0x0  }
0x53: {  	s19 =	simm.s32 $0x90;
	s28 =	rddreg [dreg:$0xf];
	[sflag:s2] =	ssyncadd.s32 $0xFFFFFF80  }
0x54: {  	[tilespmem:s5], [sflag:$0xA] =	stream.indirect.gather [spmem:s1], $0x80, s14, s20, $0xb8;
	[tilespmem:$0x1C400] =	vst v63  }
.LBB2_2:
0x55: {  	p0 =	seq.s32 s19, $0xCC0  }
0x56: {  	s21 =	sadd.s32 @!p0 $0xFFFFFFC0, s19  }
0x57: {  	_ =	swait.ge [sflag:s7], $0x4000;
	s22 =	sadd.s32 @!p0 s17, s21;
	s21 =	sand.u32 @!p0 $0x70, s21  }
0x58: {  	[sflag:s7] =	ssyncset.done $0x0;
	s22 =	sand.u32 @!p0 $0xFFFFF80, s22;
	s21 =	sadd.s32 @!p0 s4, s21  }
0x59: {  	[sflag:s7] =	ssyncadd.s32 $0xFFFFC000;
	s22 =	sadd.s32 @!p0 s22, s21;
	s21 =	simm.s32 @!p0 $0x0  }
0x5a: {  	[tilespmem:s21], [sflag:$0x1] =	stream.linear.gather @!p0 [hbm4b:s22+s21], $0x80, $0x38;
	[tilespmem:$0x1C400] =	vst v63  }
0x5b: {  	s14 =	sadd.s32 $0xFFFFE000, s28  }
0x5c: {  	[hbm4b:s14+s3] =	stream.linear.scatter [tilespmem:s25], [sflag:$0xB], $0x4000, $0x38;
	[tilespmem:$0x1C400] =	vst v63  }
0x5d: {  	_ =	swait.ge [sflag:s8], $0x4000  }
0x5e: {  	s23 =	simm.s32 @p0 $0x4400;
	[sflag:s8] =	ssyncset.done $0x0  }
0x5f: {  	s22 =	simm.s32 @p0 $0x0;
	s0 =	rddreg [dreg:$0xd];
	[sflag:s8] =	ssyncadd.s32 $0xFFFFC000  }
0x60: {  	[hbm4b:s0+s22] =	stream.linear.scatter @p0 [tilespmem:s23], [sflag:$0xC], $0x4000, $0x38;
	[tilespmem:$0x1C400] =	vst v63  }
0x61: {  	s13 =	sadd.s32 @!p0 $0xFFFFFFD0, s19;
	s23 =	simm.s32 @p0 $0x8;
	s0 =	sadd.s32 @!p0 s19, s17  }
0x62: {  	s13 =	sand.u32 @!p0 $0x70, s13;
	_ =	swait.ge @p0 [sflag:s23], $0x4000;
	s14 =	sadd.s32 @!p0 $0xFFFFFFD0, s0  }
0x63: {  	s13 =	sadd.s32 @!p0 s4, s13;
	[sflag:s23] =	ssyncset.done @p0 $0x0;
	s14 =	sand.u32 @!p0 $0xFFFFF80, s14  }
0x64: {  	[sflag:s23] =	ssyncadd.s32 @p0 $0xFFFFC000;
	s13 =	sadd.s32 @!p0 s14, s13;
	s14 =	simm.s32 @!p0 $0x80  }
0x65: {  	[tilespmem:s14], [sflag:$0x2] =	stream.linear.gather @!p0 [hbm4b:s13+s21], $0x80, $0x38;
	[tilespmem:$0x1C400] =	vst v63  }
0x66: {  	s13 =	sadd.s32 @!p0 $0xFFFFE800, s28;
	s14 =	simm.s32 @!p0 $0x4400  }
0x67: {  	[hbm4b:s13+s21] =	stream.linear.scatter @!p0 [tilespmem:s14], [sflag:$0xC], $0x4000, $0x38;
	[tilespmem:$0x1C400] =	vst v63  }
0x68: {  	s13 =	simm.s32 @!p0 $0x8;
	s14 =	sadd.s32 @!p0 $0xFFFFFFE0, s19  }
0x69: {  	s23 =	sadd.s32 @!p0 $0xFFFFFFE0, s0;
	_ =	swait.ge @!p0 [sflag:s13], $0x4000;
	s14 =	sand.u32 @!p0 $0x70, s14  }
0x6a: {  	s23 =	sand.u32 @!p0 $0xFFFFF80, s23;
	[sflag:s13] =	ssyncset.done @!p0 $0x0;
	s14 =	sadd.s32 @!p0 s4, s14  }
0x6b: {  	[sflag:s13] =	ssyncadd.s32 @!p0 $0xFFFFC000;
	s13 =	sadd.s32 @!p0 s23, s14;
	s14 =	simm.s32 @!p0 $0x100  }
0x6c: {  	[tilespmem:s14], [sflag:$0x3] =	stream.linear.gather @!p0 [hbm4b:s13+s21], $0x80, $0x38;
	[tilespmem:$0x1C400] =	vst v63  }
0x6d: {  	s23 =	sadd.s32 $0xFFFFF000, s28  }
0x6e: {  	[hbm4b:s23+s3] =	stream.linear.scatter [tilespmem:s30], [sflag:$0xD], $0x4000, $0x38;
	[tilespmem:$0x1C400] =	vst v63  }
0x6f: {  	_ =	swait.ge [sflag:s9], $0x4000  }
0x70: {  	[sflag:s9] =	ssyncset.done $0x0  }
0x71: {  	s13 =	simm.s32 @p0 $0xC400;
	s14 =	rddreg [dreg:$0xe];
	[sflag:s9] =	ssyncadd.s32 $0xFFFFC000  }
0x72: {  	[hbm4b:s14+s22] =	stream.linear.scatter @p0 [tilespmem:s13], [sflag:$0xE], $0x4000, $0x38;
	[tilespmem:$0x1C400] =	vst v63  }
0x73: {  	s13 =	sadd.s32 @!p0 s6, s16  }
0x74: {  	s14 =	simm.s32 @p0 $0xA;
	s22 =	sand.u32 @!p0 $0x380, s6;
	s13 =	sand.u32 @!p0 $0x7FFFFC00, s13  }
0x75: {  	_ =	swait.ge @p0 [sflag:s14], $0x4000;
	s13 =	sor.u32 @!p0 s22, s13  }
0x76: {  	[sflag:s14] =	ssyncset.done @p0 $0x0;
	s13 =	sshrl.u32 @!p0 s13, $0x3  }
0x77: {  	[sflag:s14] =	ssyncadd.s32 @p0 $0xFFFFC000;
	s14 =	simm.s32 @!p0 $0x180;
	s13 =	sadd.s32 @!p0 s4, s13  }
0x78: {  	[tilespmem:s14], [sflag:$0x4] =	stream.linear.gather @!p0 [hbm4b:s13+s21], $0x80, $0x38;
	[tilespmem:$0x1C400] =	vst v63  }
0x79: {  	s13 =	sadd.s32 @!p0 $0xFFFFF800, s28;
	s14 =	simm.s32 @!p0 $0xC400  }
0x7a: {  	[hbm4b:s13+s21] =	stream.linear.scatter @!p0 [tilespmem:s14], [sflag:$0xE], $0x4000, $0x38;
	[tilespmem:$0x1C400] =	vst v63  }
0x7b: {  	s13 =	simm.s32 @!p0 $0xA  }
0x7c: {  	s14 =	sand.u32 @!p0 $0x70, s19;
	_ =	swait.ge @!p0 [sflag:s13], $0x4000  }
0x7d: {  	s0 =	sand.u32 @!p0 $0xFFFFF80, s0;
	s14 =	sadd.s32 @!p0 s4, s14;
	[sflag:s13] =	ssyncset.done @!p0 $0x0  }
0x7e: {  	s0 =	sadd.s32 @!p0 s0, s14;
	[sflag:s13] =	ssyncadd.s32 @!p0 $0xFFFFC000;
	s13 =	simm.s32 @!p0 $0x200  }
0x7f: {  	[tilespmem:s13], [sflag:$0x5] =	stream.linear.gather @!p0 [hbm4b:s0+s21], $0x80, $0x38;
	[tilespmem:$0x1C400] =	vst v63  }
.Ltmp2:
0x80: {  	_ = 	snop;
	(pc) =	sbr.rel @p0 .LBB2_4-.Ltmp2, $4  }
0x81: {  	[hbm4b:s28+s3] =	stream.linear.scatter [tilespmem:s5], [sflag:$0xF], $0x4000, $0x38;
	[tilespmem:$0x1C400] =	vst v63  }
0x82: {  	_ =	swait.ge [sflag:s10], $0x4000  }
0x83: {  	[sflag:s10] =	ssyncset.done $0x0  }
0x84: {  	[sflag:s10] =	ssyncadd.s32 $0xFFFFC000  }
0x85: {  	_ =	swait.ge [sflag:s24], $0x80  }
0x86: {  	[sflag:s24] =	ssyncset.done $0x0  }
0x87: {  	[sflag:s24] =	ssyncadd.s32 $0xFFFFFF80  }
0x88: {  	[tilespmem:s25], [sflag:$0x6] =	stream.indirect.gather [spmem:s1], $0x80, s3, s20, $0xb8;
	[tilespmem:$0x1C400] =	vst v63  }
0x89: {  	_ =	swait.ge [sflag:s11], $0x4000  }
0x8a: {  	[sflag:s11] =	ssyncset.done $0x0  }
0x8b: {  	[sflag:s11] =	ssyncadd.s32 $0xFFFFC000  }
0x8c: {  	_ =	swait.ge [sflag:s26], $0x80  }
0x8d: {  	[sflag:s26] =	ssyncset.done $0x0  }
0x8e: {  	s0 =	simm.s32 $0x4400;
	[sflag:s26] =	ssyncadd.s32 $0xFFFFFF80  }
0x8f: {  	[tilespmem:s0], [sflag:$0x7] =	stream.indirect.gather [spmem:s1], $0x80, s20, s20, $0xb8;
	[tilespmem:$0x1C400] =	vst v63  }
0x90: {  	_ =	swait.ge [sflag:s12], $0x4000  }
0x91: {  	[sflag:s12] =	ssyncset.done $0x0  }
0x92: {  	[sflag:s12] =	ssyncadd.s32 $0xFFFFC000  }
0x93: {  	_ =	swait.ge [sflag:s29], $0x80  }
0x94: {  	[sflag:s29] =	ssyncset.done $0x0  }
0x95: {  	s21 =	simm.s32 $0x100;
	[sflag:s29] =	ssyncadd.s32 $0xFFFFFF80  }
0x96: {  	[tilespmem:s30], [sflag:$0x8] =	stream.indirect.gather [spmem:s1], $0x80, s21, s20, $0xb8;
	[tilespmem:$0x1C400] =	vst v63  }
0x97: {  	_ =	swait.ge [sflag:s15], $0x4000  }
0x98: {  	[sflag:s15] =	ssyncset.done $0x0  }
0x99: {  	[sflag:s15] =	ssyncadd.s32 $0xFFFFC000  }
0x9a: {  	_ =	swait.ge [sflag:s31], $0x80  }
0x9b: {  	[sflag:s31] =	ssyncset.done $0x0  }
0x9c: {  	s22 =	simm.s32 $0x180;
	s13 =	simm.s32 $0xC400;
	[sflag:s31] =	ssyncadd.s32 $0xFFFFFF80  }
0x9d: {  	[tilespmem:s13], [sflag:$0x9] =	stream.indirect.gather [spmem:s1], $0x80, s22, s20, $0xb8;
	[tilespmem:$0x1C400] =	vst v63  }
0x9e: {  	_ =	swait.ge [sflag:s18], $0x4000  }
0x9f: {  	[sflag:s18] =	ssyncset.done $0x0  }
.Ltmp3:
0xa0: {  	[sflag:s18] =	ssyncadd.s32 $0xFFFFC000;
	(pc) =	sbr.rel .LBB2_2-.Ltmp3, $4  }
0xa1: {  	_ =	swait.ge [sflag:s2], $0x80  }
0xa2: {  	s23 =	simm.s32 $0x200;
	s28 =	sadd.s32 $0x2800, s28;
	[sflag:s2] =	ssyncset.done $0x0  }
0xa3: {  	s6 =	sadd.s32 $0x280, s6;
	s19 =	sadd.s32 $0x50, s19;
	[sflag:s2] =	ssyncadd.s32 $0xFFFFFF80  }
0xa4: {  	[tilespmem:s5], [sflag:$0xA] =	stream.indirect.gather [spmem:s1], $0x80, s23, s20, $0xb8;
	[tilespmem:$0x1C400] =	vst v63  }
.LBB2_5:
0xa5: {  	_ =	sfence.sel $0x180000  }
0xa6: {  	[bflag:$0x0] =	sbarrier.arrive $0xFFFF  }
0xa7: {  	_ =	strace $0x90000047  }
0xa8: {  	s0 =	stileid.u32;
	[bflag:$0x2] =	sbarrier.arrive $0xFFFF  }
0xa9: {  	p0 =	sne.s32 s0, $0x0;
	s0 =	rddreg [dreg:$0x4]  }
0xaa: {  	s0 =	sadd.s32 @!p0 $0x100000, s0  }
0xab: {  	[sflag:s0] =	ssyncadd.tile.s32 @!p0 $0x1;
	_ =	shalt  }
.Lfunc_end2:
_tile_overlayer_lowered:
.L_overlay_start_2:
0xac: {  	(tag) =	ssettag $0x2  }
0xad: {  	s0 =	rddreg [dreg:$0x0];
	s2 =	stileid.u32  }
0xae: {  	s1 =	rddreg [dreg:$0x1];
	p0 =	sne.s32 s2, $0x0  }
0xaf: {  	s3 =	rddreg [dreg:$0x2];
	[bflag:$0x3] =	sbarrier.arrive $0xFFFF;
	s2 =	simm.s32 @!p0 $0x1C10  }
0xb0: {  	[timem:s3], [sflag:s2] =	dma.local @!p0 [hbm:s0], s1  }
0xb1: {  	s0 =	simm.s32 @!p0 $0x10  }
0xb2: {  	_ =	swait.ge @!p0 [sflag:s0], s1  }
0xb3: {  	s1 =	ssub.s32 @!p0 $0x0, s1;
	[sflag:s0] =	ssyncset.done @!p0 $0x0  }
0xb4: {  	[sflag:s0] =	ssyncadd.s32 @!p0 s1  }
0xb5: {  	[bflag:$0x3] =	sbarrier.arrive $0xFFFF  }
0xb6: {  	_ =	shalt  }

</sc_bundles>
